<compile_context>
chip_gen: v7x
topology: tpu7x:2x2x1
jax: 0.10.2.dev20260603
libtpu: 0.0.44.dev20260713+nightly
codegen_flags: <defaults>
</compile_context>

<pallas_src>
import functools

import jax
import jax.numpy as jnp
from jax import lax
from jax.experimental import pallas as pl
from jax.experimental.pallas import tpu as pltpu
from jax.experimental.pallas import tpu_sc as plsc

_REORDER_RATIO = 0.5
_MIN_W = 2
_MAX_W = 5
_LANES = 16


def _row_uniforms(key, batch):
    base = key
    keys = jax.vmap(lambda i: jax.random.fold_in(base, i))(
        jnp.arange(batch, dtype=jnp.int32))

    def draws(k):
        ku, kw, ks, kp = jax.random.split(k, 4)
        return (jax.random.uniform(ku), jax.random.uniform(kw),
                jax.random.uniform(ks), jax.random.uniform(kp, (_MAX_W,)))

    uu, uw, us, r = jax.vmap(draws)(keys)
    return uu, uw, us, r


def _build_aux(item_seq_len, batch):
    uu, uw, us, r = _row_uniforms(jax.random.key(1), batch)
    slen = item_seq_len.astype(jnp.int32)
    flag = ((slen > _MIN_W) & (uu <= _REORDER_RATIO)).astype(jnp.int32)
    zf = jnp.zeros((batch, 9), jnp.float32)
    aux_f = jnp.concatenate([r, uw[:, None], us[:, None], zf], axis=1)
    zi = jnp.zeros((batch, 14), jnp.int32)
    aux_i = jnp.concatenate([flag[:, None], slen[:, None], zi], axis=1)
    return aux_f, aux_i


_GROUP = 128


def _sc_body(seq_hbm, auxf_hbm, auxi_hbm, out_hbm, seq_v, auxf_v, auxi_v,
             pk_v, seq_v2, auxf_v2, auxi_v2, in_sem0, in_sem1, out_sem0,
             out_sem1, *, n_rows, length, n_workers):
    rows_per = n_rows // n_workers
    n_groups = rows_per // _GROUP
    wid = lax.axis_index("s") * 2 + lax.axis_index("c")
    base = wid * rows_per

    lanes = lax.iota(jnp.int32, _LANES)
    inf_v = jnp.full((_LANES,), jnp.inf, jnp.float32)

    seq_bufs = (seq_v, seq_v2)
    auxf_bufs = (auxf_v, auxf_v2)
    auxi_bufs = (auxi_v, auxi_v2)
    in_sems = (in_sem0, in_sem1)
    out_sems = (out_sem0, out_sem1)

    def start_in(g):
        gbase = base + g * _GROUP
        b = g % 2
        c1 = pltpu.make_async_copy(seq_hbm.at[pl.ds(gbase, _GROUP)],
                                   seq_bufs[b], in_sems[b])
        c2 = pltpu.make_async_copy(auxf_hbm.at[pl.ds(gbase, _GROUP)],
                                   auxf_bufs[b], in_sems[b])
        c3 = pltpu.make_async_copy(auxi_hbm.at[pl.ds(gbase, _GROUP)],
                                   auxi_bufs[b], in_sems[b])
        c1.start()
        c2.start()
        c3.start()
        return (c1, c2, c3)

    handles_in = {0: start_in(0)}
    handles_out = {}
    for g in range(n_groups):
        b = g % 2
        if g + 1 < n_groups:
            if g - 1 >= 0:
                for h in handles_out[g - 1]:
                    h.wait()
            handles_in[g + 1] = start_in(g + 1)
        for h in handles_in[g]:
            h.wait()
        _sc_group(seq_bufs[b], auxf_bufs[b], auxi_bufs[b], pk_v, lanes,
                  inf_v, length)
        gbase = base + g * _GROUP
        co = pltpu.make_async_copy(seq_bufs[b],
                                   out_hbm.at[pl.ds(gbase, _GROUP)],
                                   out_sems[b])
        co.start()
        handles_out[g] = (co,)
    for g in (n_groups - 2, n_groups - 1):
        if g >= 0:
            for h in handles_out[g]:
                h.wait()


def _sc_group(seq_v, auxf_v, auxi_v, pk_v, lanes, inf_v, length):
    big_v = jnp.full((_LANES,), jnp.int32(1 << 30), jnp.int32)

    def row_fn(r, _):
        auxirow = auxi_v[r, :]
        flag = auxirow[0]

        @pl.when(flag != 0)
        def _process():
            auxrow_f = auxf_v[r, :]
            slen = auxirow[1]
            slen_v = jnp.full((_LANES,), slen, jnp.int32)
            nch = jnp.minimum((slen + (_LANES - 1)) // _LANES, 12)

            def compact(off, posv, carry):
                v = seq_v[r, pl.ds(off, _LANES)]
                m = (v != 0) & (posv < slen_v)
                packed, _ = plsc.sort_key_val(jnp.where(m, posv, big_v),
                                              posv)
                cnt = plsc.all_reduce_population_count(m)
                plsc.store_scatter(pk_v, [carry + lanes], packed,
                                   mask=lanes < cnt)
                return carry + cnt

            def chunk_fn(c, carry):
                off = c * _LANES
                return compact(off, lanes + off, carry)

            nv0 = lax.fori_loop(0, nch, chunk_fn,
                                jnp.zeros((_LANES,), jnp.int32))

            def tail_fn(carry):
                off = length - _LANES
                posv = lanes + off
                v = seq_v[r, pl.ds(off, _LANES)]
                m = (v != 0) & (posv < slen_v) & (posv >= 12 * _LANES)
                packed, _ = plsc.sort_key_val(jnp.where(m, posv, big_v),
                                              posv)
                cnt = plsc.all_reduce_population_count(m)
                plsc.store_scatter(pk_v, [carry + lanes], packed,
                                   mask=lanes < cnt)
                return carry + cnt

            nv = lax.cond(slen > 12 * _LANES, tail_fn, lambda c: c, nv0)

            nv_f = nv.astype(jnp.float32)
            uw_f = jnp.full((_LANES,), auxrow_f[5], jnp.float32)
            us_f = jnp.full((_LANES,), auxrow_f[6], jnp.float32)

            maxp = jnp.minimum(nv_f, float(_MAX_W))
            span = jnp.maximum(maxp - (_MIN_W - 1), 1.0)
            ws = _MIN_W + (uw_f * span).astype(jnp.int32)
            ws = jnp.clip(ws, _MIN_W,
                          jnp.maximum(maxp.astype(jnp.int32), _MIN_W))
            max_start = jnp.maximum(nv_f - ws.astype(jnp.float32) + 1.0, 1.0)
            start = (us_f * max_start).astype(jnp.int32)

            tgt = jnp.clip(start + lanes, 0, length - 1)
            win_pos = plsc.load_gather(pk_v, [tgt])
            win_pos = jnp.clip(win_pos, 0, length - 1)
            r_splat = jnp.full((_LANES,), r, jnp.int32)
            win_items = plsc.load_gather(seq_v, [r_splat, win_pos])

            in_win = lanes < ws
            key = jnp.where(in_win, auxrow_f, inf_v)
            _, shuffled = plsc.sort_key_val(key, win_items)
            do_write = in_win & (nv >= _MIN_W)
            plsc.store_scatter(seq_v, [r_splat, win_pos], shuffled,
                               mask=do_write)

    lax.fori_loop(0, _GROUP, row_fn, None)


def _run_sc(item_seq, aux_f, aux_i):
    batch, length = item_seq.shape
    n_workers = 32
    rows_per = batch // n_workers
    mesh = plsc.VectorSubcoreMesh(core_axis_name="c", subcore_axis_name="s")
    f = pl.kernel(
        functools.partial(_sc_body, n_rows=batch, length=length,
                          n_workers=n_workers),
        mesh=mesh,
        compiler_params=pltpu.CompilerParams(use_tc_tiling_on_sc=False, needs_layout_passes=False),
        out_type=jax.ShapeDtypeStruct((batch, length), jnp.int32),
        scratch_types=[
            pltpu.VMEM((_GROUP, 200), jnp.int32),
            pltpu.VMEM((_GROUP, 16), jnp.float32),
            pltpu.VMEM((_GROUP, 16), jnp.int32),
            pltpu.VMEM((256,), jnp.int32),
            pltpu.VMEM((_GROUP, 200), jnp.int32),
            pltpu.VMEM((_GROUP, 16), jnp.float32),
            pltpu.VMEM((_GROUP, 16), jnp.int32),
            pltpu.SemaphoreType.DMA,
            pltpu.SemaphoreType.DMA,
            pltpu.SemaphoreType.DMA,
            pltpu.SemaphoreType.DMA,
        ],
    )
    return f(item_seq, aux_f, aux_i)


def kernel(item_seq, item_seq_len):
    batch, _ = item_seq.shape
    aux_f, aux_i = _build_aux(item_seq_len, batch)
    out = _run_sc(item_seq, aux_f, aux_i)
    return out, item_seq_len

# --- scband reference (transcript-rebuilt; emitter-appended) ---
"""Pipeline reference for scband-reorder-augmentation-58308476010520 (READ-ONLY COPY).

The authoritative reference and input builder live on the scoring server;
editing this copy changes nothing except your own understanding.
"""

import jax, jax.numpy as jnp
import numpy as np

REORDER_RATIO = 0.5
MIN_W = 2
MAX_W = 5
BATCH = 16384
MAX_LEN = 200
VOCAB = 100000


def setup_inputs(seed: int = 0) -> dict:
    key = jax.random.key(seed)
    k1, k2 = jax.random.split(key)
    item_seq = jax.random.randint(k1, (BATCH, MAX_LEN), 0, VOCAB, dtype=jnp.int32)
    item_seq_len = jax.random.randint(k2, (BATCH,), 0, MAX_LEN, dtype=jnp.int32)
    return {"item_seq": item_seq, "item_seq_len": item_seq_len}


def _reorder_row(row_key, seq, seq_len):
    L = seq.shape[0]
    ku, kw, ks, kp = jax.random.split(row_key, 4)
    pos = jnp.arange(L, dtype=jnp.int32)
    valid = (pos < seq_len) & (seq != 0)
    n_valid = valid.sum().astype(jnp.int32)
    # packed valid indices (in order), sentinel L for invalid slots
    packed = jnp.sort(jnp.where(valid, pos, L))
    apply_aug = (seq_len > MIN_W) & (jax.random.uniform(ku) <= REORDER_RATIO) & (n_valid >= MIN_W)
    max_possible = jnp.minimum(n_valid, MAX_W)
    span = jnp.maximum(max_possible - MIN_W + 1, 1)
    ws = MIN_W + jnp.floor(jax.random.uniform(kw) * span).astype(jnp.int32)
    ws = jnp.clip(ws, MIN_W, jnp.maximum(max_possible, MIN_W))
    max_start = jnp.maximum(n_valid - ws + 1, 1)
    start = jnp.floor(jax.random.uniform(ks) * max_start).astype(jnp.int32)
    w = jnp.arange(MAX_W, dtype=jnp.int32)
    in_win = w < ws
    win_pos_idx = jnp.clip(start + w, 0, L - 1)
    win_indices = packed[win_pos_idx]
    win_indices_safe = jnp.clip(win_indices, 0, L - 1)
    win_items = seq[win_indices_safe]
    # random permutation within the active window slots
    r = jax.random.uniform(kp, (MAX_W,))
    r = jnp.where(in_win, r, jnp.inf)
    perm = jnp.argsort(r)  # first ws entries: random permutation of 0..ws-1
    shuffled = win_items[perm]
    do_write = apply_aug & in_win
    scatter_idx = jnp.where(do_write, win_indices_safe, L)  # L = out-of-bounds -> dropped
    out = seq.at[scatter_idx].set(shuffled, mode='drop')
    return out


def reference(item_seq, item_seq_len):
    B = item_seq.shape[0]
    base = jax.random.key(1)
    keys = jax.vmap(lambda i: jax.random.fold_in(base, i))(jnp.arange(B))
    aug = jax.vmap(_reorder_row)(keys, item_seq, item_seq_len.astype(jnp.int32))
    return aug, item_seq_len

if __name__ == "__main__":
    import jax
    _d = setup_inputs()
    print(jax.jit(kernel)(*tuple(_d.values())))

</pallas_src>

<mosaic_0001>
#map = affine_map<(d0, d1) -> (0, 0)>
module attributes {stable_mosaic.version = 14 : i64} {
  func.func @_sc_body(%arg0: i32, %arg1: i32, %arg2: memref<16384x200xi32, #tpu.memory_space<hbm>>, %arg3: memref<16384x16xf32, #tpu.memory_space<hbm>>, %arg4: memref<16384x16xi32, #tpu.memory_space<hbm>>, %arg5: memref<16384x200xi32, #tpu.memory_space<hbm>>, %arg6: memref<128x200xi32, #tpu.memory_space<vmem>>, %arg7: memref<128x16xf32, #tpu.memory_space<vmem>>, %arg8: memref<128x16xi32, #tpu.memory_space<vmem>>, %arg9: memref<256xi32, #tpu.memory_space<vmem>>, %arg10: memref<128x200xi32, #tpu.memory_space<vmem>>, %arg11: memref<128x16xf32, #tpu.memory_space<vmem>>, %arg12: memref<128x16xi32, #tpu.memory_space<vmem>>, %arg13: memref<!tpu.dma_semaphore, #tpu.memory_space<semaphore_mem>>, %arg14: memref<!tpu.dma_semaphore, #tpu.memory_space<semaphore_mem>>, %arg15: memref<!tpu.dma_semaphore, #tpu.memory_space<semaphore_mem>>, %arg16: memref<!tpu.dma_semaphore, #tpu.memory_space<semaphore_mem>>) attributes {dimension_semantics = [#tpu.dimension_semantics<core_parallel>, #tpu.dimension_semantics<subcore_parallel>], iteration_bounds = array<i64: 2, 16>, scalar_prefetch = 0 : i64, scratch_operands = 11 : i64, tpu.core_type = #tpu.core_type<sc_vector_subcore>, window_params = [{transform_indices = #map}, {transform_indices = #map}, {transform_indices = #map}, {transform_indices = #map}]} {
    %mul3A = arith.constant 2 : i32
    %mul3A_0 = arith.muli %arg1, %mul3A : i32
    %add3A = arith.addi %mul3A_0, %arg0 : i32
    %mul3A_1 = arith.constant 512 : i32
    %mul3A_2 = arith.muli %add3A, %mul3A_1 : i32
    %iota3A = tpu.iota {dimensions = array<i32: 0>} : vector<16xi32>
    %broadcast_in_dim3A = arith.constant 0x7F800000 : f32
    %broadcast_in_dim3A_3 = vector.broadcast %broadcast_in_dim3A : f32 to vector<16xf32>
    %add3A_4 = arith.constant 0 : i32
    %add3A_5 = arith.addi %mul3A_2, %add3A_4 : i32
    %dma_start3A = arith.constant 0 : i32
    %dma_start3A_6 = tpu.memref_slice %arg2[%add3A_5, %dma_start3A] : memref<16384x200xi32, #tpu.memory_space<hbm>> -> memref<128x200xi32, #tpu.memory_space<hbm>>
    %dma_start3A_7 = arith.constant 0 : i32
    %dma_start3A_8 = tpu.memref_slice %arg2[%add3A_5, %dma_start3A_7] : memref<16384x200xi32, #tpu.memory_space<hbm>> -> memref<128x200xi32, #tpu.memory_space<hbm>>
    tpu.enqueue_dma source(%dma_start3A_8 : memref<128x200xi32, #tpu.memory_space<hbm>>) target(%arg6 : memref<128x200xi32, #tpu.memory_space<vmem>>) target_semaphore(%arg13 : memref<!tpu.dma_semaphore, #tpu.memory_space<semaphore_mem>>)
    %dma_start3A_9 = arith.constant 0 : i32
    %dma_start3A_10 = tpu.memref_slice %arg3[%add3A_5, %dma_start3A_9] : memref<16384x16xf32, #tpu.memory_space<hbm>> -> memref<128x16xf32, #tpu.memory_space<hbm>>
    %dma_start3A_11 = arith.constant 0 : i32
    %dma_start3A_12 = tpu.memref_slice %arg3[%add3A_5, %dma_start3A_11] : memref<16384x16xf32, #tpu.memory_space<hbm>> -> memref<128x16xf32, #tpu.memory_space<hbm>>
    tpu.enqueue_dma source(%dma_start3A_12 : memref<128x16xf32, #tpu.memory_space<hbm>>) target(%arg7 : memref<128x16xf32, #tpu.memory_space<vmem>>) target_semaphore(%arg13 : memref<!tpu.dma_semaphore, #tpu.memory_space<semaphore_mem>>)
    %dma_start3A_13 = arith.constant 0 : i32
    %dma_start3A_14 = tpu.memref_slice %arg4[%add3A_5, %dma_start3A_13] : memref<16384x16xi32, #tpu.memory_space<hbm>> -> memref<128x16xi32, #tpu.memory_space<hbm>>
    %dma_start3A_15 = arith.constant 0 : i32
    %dma_start3A_16 = tpu.memref_slice %arg4[%add3A_5, %dma_start3A_15] : memref<16384x16xi32, #tpu.memory_space<hbm>> -> memref<128x16xi32, #tpu.memory_space<hbm>>
    tpu.enqueue_dma source(%dma_start3A_16 : memref<128x16xi32, #tpu.memory_space<hbm>>) target(%arg8 : memref<128x16xi32, #tpu.memory_space<vmem>>) target_semaphore(%arg13 : memref<!tpu.dma_semaphore, #tpu.memory_space<semaphore_mem>>)
    %add3A_17 = arith.constant 128 : i32
    %add3A_18 = arith.addi %mul3A_2, %add3A_17 : i32
    %dma_start3A_19 = arith.constant 0 : i32
    %dma_start3A_20 = tpu.memref_slice %arg2[%add3A_18, %dma_start3A_19] : memref<16384x200xi32, #tpu.memory_space<hbm>> -> memref<128x200xi32, #tpu.memory_space<hbm>>
    %dma_start3A_21 = arith.constant 0 : i32
    %dma_start3A_22 = tpu.memref_slice %arg2[%add3A_18, %dma_start3A_21] : memref<16384x200xi32, #tpu.memory_space<hbm>> -> memref<128x200xi32, #tpu.memory_space<hbm>>
    tpu.enqueue_dma source(%dma_start3A_22 : memref<128x200xi32, #tpu.memory_space<hbm>>) target(%arg10 : memref<128x200xi32, #tpu.memory_space<vmem>>) target_semaphore(%arg14 : memref<!tpu.dma_semaphore, #tpu.memory_space<semaphore_mem>>)
    %dma_start3A_23 = arith.constant 0 : i32
    %dma_start3A_24 = tpu.memref_slice %arg3[%add3A_18, %dma_start3A_23] : memref<16384x16xf32, #tpu.memory_space<hbm>> -> memref<128x16xf32, #tpu.memory_space<hbm>>
    %dma_start3A_25 = arith.constant 0 : i32
    %dma_start3A_26 = tpu.memref_slice %arg3[%add3A_18, %dma_start3A_25] : memref<16384x16xf32, #tpu.memory_space<hbm>> -> memref<128x16xf32, #tpu.memory_space<hbm>>
    tpu.enqueue_dma source(%dma_start3A_26 : memref<128x16xf32, #tpu.memory_space<hbm>>) target(%arg11 : memref<128x16xf32, #tpu.memory_space<vmem>>) target_semaphore(%arg14 : memref<!tpu.dma_semaphore, #tpu.memory_space<semaphore_mem>>)
    %dma_start3A_27 = arith.constant 0 : i32
    %dma_start3A_28 = tpu.memref_slice %arg4[%add3A_18, %dma_start3A_27] : memref<16384x16xi32, #tpu.memory_space<hbm>> -> memref<128x16xi32, #tpu.memory_space<hbm>>
    %dma_start3A_29 = arith.constant 0 : i32
    %dma_start3A_30 = tpu.memref_slice %arg4[%add3A_18, %dma_start3A_29] : memref<16384x16xi32, #tpu.memory_space<hbm>> -> memref<128x16xi32, #tpu.memory_space<hbm>>
    tpu.enqueue_dma source(%dma_start3A_30 : memref<128x16xi32, #tpu.memory_space<hbm>>) target(%arg12 : memref<128x16xi32, #tpu.memory_space<vmem>>) target_semaphore(%arg14 : memref<!tpu.dma_semaphore, #tpu.memory_space<semaphore_mem>>)
    %dma_wait3A = arith.constant 0 : i32
    %dma_wait3A_31 = tpu.memref_slice %arg2[%add3A_5, %dma_wait3A] : memref<16384x200xi32, #tpu.memory_space<hbm>> -> memref<128x200xi32, #tpu.memory_space<hbm>>
    %dma_wait3A_32 = arith.constant 0 : i32
    %dma_wait3A_33 = tpu.memref_slice %arg2[%add3A_5, %dma_wait3A_32] : memref<16384x200xi32, #tpu.memory_space<hbm>> -> memref<128x200xi32, #tpu.memory_space<hbm>>
    tpu.wait_dma2 semaphore(%arg13 : memref<!tpu.dma_semaphore, #tpu.memory_space<semaphore_mem>>) src(%dma_wait3A_33 : memref<128x200xi32, #tpu.memory_space<hbm>>) dst(%arg6 : memref<128x200xi32, #tpu.memory_space<vmem>>)
    %dma_wait3A_34 = arith.constant 0 : i32
    %dma_wait3A_35 = tpu.memref_slice %arg3[%add3A_5, %dma_wait3A_34] : memref<16384x16xf32, #tpu.memory_space<hbm>> -> memref<128x16xf32, #tpu.memory_space<hbm>>
    %dma_wait3A_36 = arith.constant 0 : i32
    %dma_wait3A_37 = tpu.memref_slice %arg3[%add3A_5, %dma_wait3A_36] : memref<16384x16xf32, #tpu.memory_space<hbm>> -> memref<128x16xf32, #tpu.memory_space<hbm>>
    tpu.wait_dma2 semaphore(%arg13 : memref<!tpu.dma_semaphore, #tpu.memory_space<semaphore_mem>>) src(%dma_wait3A_37 : memref<128x16xf32, #tpu.memory_space<hbm>>) dst(%arg7 : memref<128x16xf32, #tpu.memory_space<vmem>>)
    %dma_wait3A_38 = arith.constant 0 : i32
    %dma_wait3A_39 = tpu.memref_slice %arg4[%add3A_5, %dma_wait3A_38] : memref<16384x16xi32, #tpu.memory_space<hbm>> -> memref<128x16xi32, #tpu.memory_space<hbm>>
    %dma_wait3A_40 = arith.constant 0 : i32
    %dma_wait3A_41 = tpu.memref_slice %arg4[%add3A_5, %dma_wait3A_40] : memref<16384x16xi32, #tpu.memory_space<hbm>> -> memref<128x16xi32, #tpu.memory_space<hbm>>
    tpu.wait_dma2 semaphore(%arg13 : memref<!tpu.dma_semaphore, #tpu.memory_space<semaphore_mem>>) src(%dma_wait3A_41 : memref<128x16xi32, #tpu.memory_space<hbm>>) dst(%arg8 : memref<128x16xi32, #tpu.memory_space<vmem>>)
    %broadcast_in_dim3A_42 = arith.constant 1073741824 : i32
    %broadcast_in_dim3A_43 = vector.broadcast %broadcast_in_dim3A_42 : i32 to vector<16xi32>
    %scan3A = arith.constant 0 : i32
    %scan3A_44 = arith.constant 128 : i32
    %scan3A_45 = arith.addi %scan3A, %scan3A_44 : i32
    %scan3A_46 = arith.constant 1 : i32
    scf.for %scan3A_173 = %scan3A to %scan3A_45 step %scan3A_46  : i32 {
      %get3A = arith.index_cast %scan3A_173 : i32 to index
      %get3A_174 = arith.constant 0 : index
      %get3A_175 = tpu.vector_load %arg8[%get3A, %get3A_174] {strides = array<i32>} : memref<128x16xi32, #tpu.memory_space<vmem>>, vector<16xi32>,
      %slice3A = vector.extract_strided_slice %get3A_175 {offsets = [0], sizes = [1], strides = [1]} : vector<16xi32> to vector<1xi32>
      %squeeze3A = vector.extract %slice3A[0] : i32 from vector<1xi32>
      %ne3A = arith.constant 0 : i32
      %ne3A_176 = arith.cmpi ne, %squeeze3A, %ne3A : i32
      %convert_element_type3A = arith.extui %ne3A_176 : i1 to i32
      %cond3A = arith.constant 0 : i32
      %cond3A_177 = arith.cmpi ne, %convert_element_type3A, %cond3A : i32
      scf.if %cond3A_177 {
        %get3A_178 = arith.index_cast %scan3A_173 : i32 to index
        %get3A_179 = arith.constant 0 : index
        %get3A_180 = tpu.vector_load %arg7[%get3A_178, %get3A_179] {strides = array<i32>} : memref<128x16xf32, #tpu.memory_space<vmem>>, vector<16xf32>,
        %slice3A_181 = vector.extract_strided_slice %get3A_175 {offsets = [1], sizes = [1], strides = [1]} : vector<16xi32> to vector<1xi32>
        %squeeze3A_182 = vector.extract %slice3A_181[0] : i32 from vector<1xi32>
        %broadcast_in_dim3A_183 = vector.broadcast %squeeze3A_182 : i32 to vector<16xi32>
        %add3A_184 = arith.constant 15 : i32
        %add3A_185 = arith.addi %squeeze3A_182, %add3A_184 : i32
        %jit3A = arith.constant 16 : i32
        %div3A = arith.divsi %add3A_185, %jit3A : i32
        %sign3A = arith.constant 0 : i32
        %sign3A_186 = arith.cmpi sgt, %add3A_185, %sign3A : i32
        %sign3A_187 = arith.extui %sign3A_186 : i1 to i32
        %sign3A_188 = arith.constant 0 : i32
        %sign3A_189 = arith.cmpi slt, %add3A_185, %sign3A_188 : i32
        %sign3A_190 = arith.extui %sign3A_189 : i1 to i32
        %sign3A_191 = arith.subi %sign3A_187, %sign3A_190 : i32
        %sign3A_192 = arith.constant 0 : i32
        %sign3A_193 = arith.cmpi sgt, %jit3A, %sign3A_192 : i32
        %sign3A_194 = arith.extui %sign3A_193 : i1 to i32
        %sign3A_195 = arith.constant 0 : i32
        %sign3A_196 = arith.cmpi slt, %jit3A, %sign3A_195 : i32
        %sign3A_197 = arith.extui %sign3A_196 : i1 to i32
        %sign3A_198 = arith.subi %sign3A_194, %sign3A_197 : i32
        %ne3A_199 = arith.cmpi ne, %sign3A_191, %sign3A_198 : i32
        %rem3A = arith.remsi %add3A_185, %jit3A : i32
        %ne3A_200 = arith.constant 0 : i32
        %ne3A_201 = arith.cmpi ne, %rem3A, %ne3A_200 : i32
        %and3A = arith.andi %ne3A_199, %ne3A_201 : i1
        %sub3A = arith.constant 1 : i32
        %sub3A_202 = arith.subi %div3A, %sub3A : i32
        %select_n3A = arith.select %and3A, %sub3A_202, %div3A : i32
        %min3A = arith.constant 12 : i32
        %min3A_203 = arith.minsi %select_n3A, %min3A : i32
        %broadcast_in_dim3A_204 = arith.constant 0 : i32
        %broadcast_in_dim3A_205 = vector.broadcast %broadcast_in_dim3A_204 : i32 to vector<16xi32>
        %while3A = arith.constant 0 : i32
        %while3A_206 = arith.subi %min3A_203, %while3A : i32
        %while3A_207 = arith.addi %while3A, %while3A_206 : i32
        %while3A_208 = arith.constant 1 : i32
        %while3A_209 = arith.divsi %while3A_206, %while3A_208 : i32
        %while3A_210 = arith.muli %while3A_209, %while3A_208 : i32
        %while3A_211 = arith.addi %while3A, %while3A_210 : i32
        %while3A_212 = arith.constant 1 : i32
        %while3A_213 = scf.for %while3A_281 = %while3A to %while3A_211 step %while3A_212 iter_args(%while3A_282 = %broadcast_in_dim3A_205) -> (vector<16xi32>)  : i32 {
          %mul3A_283 = arith.constant 16 : i32
          %mul3A_284 = arith.muli %while3A_281, %mul3A_283 : i32
          %add3A_285 = vector.broadcast %mul3A_284 : i32 to vector<16xi32>
          %add3A_286 = arith.addi %iota3A, %add3A_285 : vector<16xi32>
          %get3A_287 = arith.index_cast %scan3A_173 : i32 to index
          %get3A_288 = arith.index_cast %mul3A_284 : i32 to index
          %get3A_289 = tpu.vector_load %arg6[%get3A_287, %get3A_288] {strides = array<i32>} : memref<128x200xi32, #tpu.memory_space<vmem>>, vector<16xi32>,
          %ne3A_290 = arith.constant 0 : i32
          %ne3A_291 = vector.broadcast %ne3A_290 : i32 to vector<16xi32>
          %ne3A_292 = arith.cmpi ne, %get3A_289, %ne3A_291 : vector<16xi32>
          %lt3A_293 = arith.cmpi slt, %add3A_286, %broadcast_in_dim3A_183 : vector<16xi32>
          %and3A_294 = arith.andi %ne3A_292, %lt3A_293 : vector<16xi1>
          %select_n3A_295 = arith.select %and3A_294, %add3A_286, %broadcast_in_dim3A_43 : vector<16xi1>, vector<16xi32>
          %masked_sort3A_296 = arith.constant dense<true> : vector<16xi1>
          %masked_sort3A_297 = arith.constant -2147483648 : i32
          %masked_sort3A_298 = vector.broadcast %masked_sort3A_297 : i32 to vector<16xi32>
          %masked_sort3A_299 = arith.xori %select_n3A_295, %masked_sort3A_298 : vector<16xi32>
          %masked_sort3A_300, %masked_sort3A_301, %masked_sort3A_302 = tpu.sort %masked_sort3A_299, %add3A_286 masked %masked_sort3A_296 : (vector<16xi32>, vector<16xi32>, vector<16xi1>) -> (vector<16xi1>, vector<16xi32>, vector<16xi32>)
          %masked_sort3A_303 = arith.xori %masked_sort3A_301, %masked_sort3A_298 : vector<16xi32>
          %all_reduce_population_count3A = tpu.all_reduce %and3A_294 {dim = 0 : i64, kind = #tpu.reduction_kind<sum>} : vector<16xi1> -> vector<16xi32>
          %add3A_304 = arith.addi %while3A_282, %iota3A : vector<16xi32>
          %lt3A_305 = arith.cmpi slt, %iota3A, %all_reduce_population_count3A : vector<16xi32>
          tpu.vector_store_idx %arg9[%add3A_304], %masked_sort3A_303 masked %lt3A_305 : memref<256xi32, #tpu.memory_space<vmem>>[vector<16xi32>], vector<16xi32>, vector<16xi1>
          %add3A_306 = arith.addi %while3A_282, %all_reduce_population_count3A : vector<16xi32>
          scf.yield %add3A_306 : vector<16xi32>
        }
        %while3A_214 = arith.constant 1 : i32
        %while3A_215 = scf.for %while3A_281 = %while3A_211 to %while3A_207 step %while3A_214 iter_args(%while3A_282 = %while3A_213) -> (vector<16xi32>)  : i32 {
          %mul3A_283 = arith.constant 16 : i32
          %mul3A_284 = arith.muli %while3A_281, %mul3A_283 : i32
          %add3A_285 = vector.broadcast %mul3A_284 : i32 to vector<16xi32>
          %add3A_286 = arith.addi %iota3A, %add3A_285 : vector<16xi32>
          %get3A_287 = arith.index_cast %scan3A_173 : i32 to index
          %get3A_288 = arith.index_cast %mul3A_284 : i32 to index
          %get3A_289 = tpu.vector_load %arg6[%get3A_287, %get3A_288] {strides = array<i32>} : memref<128x200xi32, #tpu.memory_space<vmem>>, vector<16xi32>,
          %ne3A_290 = arith.constant 0 : i32
          %ne3A_291 = vector.broadcast %ne3A_290 : i32 to vector<16xi32>
          %ne3A_292 = arith.cmpi ne, %get3A_289, %ne3A_291 : vector<16xi32>
          %lt3A_293 = arith.cmpi slt, %add3A_286, %broadcast_in_dim3A_183 : vector<16xi32>
          %and3A_294 = arith.andi %ne3A_292, %lt3A_293 : vector<16xi1>
          %select_n3A_295 = arith.select %and3A_294, %add3A_286, %broadcast_in_dim3A_43 : vector<16xi1>, vector<16xi32>
          %masked_sort3A_296 = arith.constant dense<true> : vector<16xi1>
          %masked_sort3A_297 = arith.constant -2147483648 : i32
          %masked_sort3A_298 = vector.broadcast %masked_sort3A_297 : i32 to vector<16xi32>
          %masked_sort3A_299 = arith.xori %select_n3A_295, %masked_sort3A_298 : vector<16xi32>
          %masked_sort3A_300, %masked_sort3A_301, %masked_sort3A_302 = tpu.sort %masked_sort3A_299, %add3A_286 masked %masked_sort3A_296 : (vector<16xi32>, vector<16xi32>, vector<16xi1>) -> (vector<16xi1>, vector<16xi32>, vector<16xi32>)
          %masked_sort3A_303 = arith.xori %masked_sort3A_301, %masked_sort3A_298 : vector<16xi32>
          %all_reduce_population_count3A = tpu.all_reduce %and3A_294 {dim = 0 : i64, kind = #tpu.reduction_kind<sum>} : vector<16xi1> -> vector<16xi32>
          %add3A_304 = arith.addi %while3A_282, %iota3A : vector<16xi32>
          %lt3A_305 = arith.cmpi slt, %iota3A, %all_reduce_population_count3A : vector<16xi32>
          tpu.vector_store_idx %arg9[%add3A_304], %masked_sort3A_303 masked %lt3A_305 : memref<256xi32, #tpu.memory_space<vmem>>[vector<16xi32>], vector<16xi32>, vector<16xi1>
          %add3A_306 = arith.addi %while3A_282, %all_reduce_population_count3A : vector<16xi32>
          scf.yield %add3A_306 : vector<16xi32>
        }
        %gt3A = arith.constant 192 : i32
        %gt3A_216 = arith.cmpi sgt, %squeeze3A_182, %gt3A : i32
        %convert_element_type3A_217 = arith.extui %gt3A_216 : i1 to i32
        %cond3A_218 = arith.constant 0 : i32
        %cond3A_219 = arith.cmpi ne, %convert_element_type3A_217, %cond3A_218 : i32
        %cond3A_220 = scf.if %cond3A_219 -> (vector<16xi32>) {
          %add3A_281 = arith.constant 184 : i32
          %add3A_282 = vector.broadcast %add3A_281 : i32 to vector<16xi32>
          %add3A_283 = arith.addi %iota3A, %add3A_282 : vector<16xi32>
          %get3A_284 = arith.index_cast %scan3A_173 : i32 to index
          %get3A_285 = arith.constant 184 : index
          %get3A_286 = tpu.vector_load %arg6[%get3A_284, %get3A_285] {strides = array<i32>} : memref<128x200xi32, #tpu.memory_space<vmem>>, vector<16xi32>,
          %ne3A_287 = arith.constant 0 : i32
          %ne3A_288 = vector.broadcast %ne3A_287 : i32 to vector<16xi32>
          %ne3A_289 = arith.cmpi ne, %get3A_286, %ne3A_288 : vector<16xi32>
          %lt3A_290 = arith.cmpi slt, %add3A_283, %broadcast_in_dim3A_183 : vector<16xi32>
          %and3A_291 = arith.andi %ne3A_289, %lt3A_290 : vector<16xi1>
          %ge3A_292 = arith.constant 192 : i32
          %ge3A_293 = vector.broadcast %ge3A_292 : i32 to vector<16xi32>
          %ge3A_294 = arith.cmpi sge, %add3A_283, %ge3A_293 : vector<16xi32>
          %and3A_295 = arith.andi %and3A_291, %ge3A_294 : vector<16xi1>
          %select_n3A_296 = arith.select %and3A_295, %add3A_283, %broadcast_in_dim3A_43 : vector<16xi1>, vector<16xi32>
          %masked_sort3A_297 = arith.constant dense<true> : vector<16xi1>
          %masked_sort3A_298 = arith.constant -2147483648 : i32
          %masked_sort3A_299 = vector.broadcast %masked_sort3A_298 : i32 to vector<16xi32>
          %masked_sort3A_300 = arith.xori %select_n3A_296, %masked_sort3A_299 : vector<16xi32>
          %masked_sort3A_301, %masked_sort3A_302, %masked_sort3A_303 = tpu.sort %masked_sort3A_300, %add3A_283 masked %masked_sort3A_297 : (vector<16xi32>, vector<16xi32>, vector<16xi1>) -> (vector<16xi1>, vector<16xi32>, vector<16xi32>)
          %masked_sort3A_304 = arith.xori %masked_sort3A_302, %masked_sort3A_299 : vector<16xi32>
          %all_reduce_population_count3A = tpu.all_reduce %and3A_295 {dim = 0 : i64, kind = #tpu.reduction_kind<sum>} : vector<16xi1> -> vector<16xi32>
          %add3A_305 = arith.addi %while3A_215, %iota3A : vector<16xi32>
          %lt3A_306 = arith.cmpi slt, %iota3A, %all_reduce_population_count3A : vector<16xi32>
          tpu.vector_store_idx %arg9[%add3A_305], %masked_sort3A_304 masked %lt3A_306 : memref<256xi32, #tpu.memory_space<vmem>>[vector<16xi32>], vector<16xi32>, vector<16xi1>
          %add3A_307 = arith.addi %while3A_215, %all_reduce_population_count3A : vector<16xi32>
          scf.yield %add3A_307 : vector<16xi32>
        } else {
          scf.yield %while3A_215 : vector<16xi32>
        }
        %convert_element_type3A_221 = arith.sitofp %cond3A_220 : vector<16xi32> to vector<16xf32>
        %slice3A_222 = vector.extract_strided_slice %get3A_180 {offsets = [5], sizes = [1], strides = [1]} : vector<16xf32> to vector<1xf32>
        %squeeze3A_223 = vector.extract %slice3A_222[0] : f32 from vector<1xf32>
        %broadcast_in_dim3A_224 = vector.broadcast %squeeze3A_223 : f32 to vector<16xf32>
        %slice3A_225 = vector.extract_strided_slice %get3A_180 {offsets = [6], sizes = [1], strides = [1]} : vector<16xf32> to vector<1xf32>
        %squeeze3A_226 = vector.extract %slice3A_225[0] : f32 from vector<1xf32>
        %broadcast_in_dim3A_227 = vector.broadcast %squeeze3A_226 : f32 to vector<16xf32>
        %min3A_228 = arith.constant 5.000000e+00 : f32
        %min3A_229 = vector.broadcast %min3A_228 : f32 to vector<16xf32>
        %min3A_230 = arith.minimumf %convert_element_type3A_221, %min3A_229 : vector<16xf32>
        %sub3A_231 = arith.constant 1.000000e+00 : f32
        %sub3A_232 = vector.broadcast %sub3A_231 : f32 to vector<16xf32>
        %sub3A_233 = arith.subf %min3A_230, %sub3A_232 : vector<16xf32>
        %max3A = arith.constant 1.000000e+00 : f32
        %max3A_234 = vector.broadcast %max3A : f32 to vector<16xf32>
        %max3A_235 = arith.maximumf %sub3A_233, %max3A_234 : vector<16xf32>
        %mul3A_236 = arith.mulf %broadcast_in_dim3A_224, %max3A_235 : vector<16xf32>
        %convert_element_type3A_237 = arith.fptosi %mul3A_236 : vector<16xf32> to vector<16xi32>
        %add3A_238 = arith.constant 2 : i32
        %add3A_239 = vector.broadcast %add3A_238 : i32 to vector<16xi32>
        %add3A_240 = arith.addi %add3A_239, %convert_element_type3A_237 : vector<16xi32>
        %convert_element_type3A_241 = arith.fptosi %min3A_230 : vector<16xf32> to vector<16xi32>
        %max3A_242 = arith.constant 2 : i32
        %max3A_243 = vector.broadcast %max3A_242 : i32 to vector<16xi32>
        %max3A_244 = arith.maxsi %convert_element_type3A_241, %max3A_243 : vector<16xi32>
        %jit3A_245 = arith.constant 2 : i32
        %max3A_246 = vector.broadcast %jit3A_245 : i32 to vector<16xi32>
        %max3A_247 = arith.maxsi %max3A_246, %add3A_240 : vector<16xi32>
        %min3A_248 = arith.minsi %max3A_244, %max3A_247 : vector<16xi32>
        %convert_element_type3A_249 = arith.sitofp %min3A_248 : vector<16xi32> to vector<16xf32>
        %sub3A_250 = arith.subf %convert_element_type3A_221, %convert_element_type3A_249 : vector<16xf32>
        %add3A_251 = arith.constant 1.000000e+00 : f32
        %add3A_252 = vector.broadcast %add3A_251 : f32 to vector<16xf32>
        %add3A_253 = arith.addf %sub3A_250, %add3A_252 : vector<16xf32>
        %max3A_254 = arith.constant 1.000000e+00 : f32
        %max3A_255 = vector.broadcast %max3A_254 : f32 to vector<16xf32>
        %max3A_256 = arith.maximumf %add3A_253, %max3A_255 : vector<16xf32>
        %mul3A_257 = arith.mulf %broadcast_in_dim3A_227, %max3A_256 : vector<16xf32>
        %convert_element_type3A_258 = arith.fptosi %mul3A_257 : vector<16xf32> to vector<16xi32>
        %add3A_259 = arith.addi %convert_element_type3A_258, %iota3A : vector<16xi32>
        %jit3A_260 = arith.constant 0 : i32
        %jit3A_261 = arith.constant 199 : i32
        %max3A_262 = vector.broadcast %jit3A_260 : i32 to vector<16xi32>
        %max3A_263 = arith.maxsi %max3A_262, %add3A_259 : vector<16xi32>
        %min3A_264 = vector.broadcast %jit3A_261 : i32 to vector<16xi32>
        %min3A_265 = arith.minsi %min3A_264, %max3A_263 : vector<16xi32>
        %gather3A = tpu.vector_load_idx %arg9[%min3A_265] : memref<256xi32, #tpu.memory_space<vmem>>[vector<16xi32>], vector<16xi32>,
        %jit3A_266 = arith.constant 0 : i32
        %jit3A_267 = arith.constant 199 : i32
        %max3A_268 = vector.broadcast %jit3A_266 : i32 to vector<16xi32>
        %max3A_269 = arith.maxsi %max3A_268, %gather3A : vector<16xi32>
        %min3A_270 = vector.broadcast %jit3A_267 : i32 to vector<16xi32>
        %min3A_271 = arith.minsi %min3A_270, %max3A_269 : vector<16xi32>
        %broadcast_in_dim3A_272 = vector.broadcast %scan3A_173 : i32 to vector<16xi32>
        %gather3A_273 = tpu.vector_load_idx %arg6[%broadcast_in_dim3A_272, %min3A_271] : memref<128x200xi32, #tpu.memory_space<vmem>>[vector<16xi32>, vector<16xi32>], vector<16xi32>,
        %lt3A = arith.cmpi slt, %iota3A, %min3A_248 : vector<16xi32>
        %select_n3A_274 = arith.select %lt3A, %get3A_180, %broadcast_in_dim3A_3 : vector<16xi1>, vector<16xf32>
        %masked_sort3A = arith.constant dense<true> : vector<16xi1>
        %masked_sort3A_275, %masked_sort3A_276, %masked_sort3A_277 = tpu.sort %select_n3A_274, %gather3A_273 masked %masked_sort3A : (vector<16xf32>, vector<16xi32>, vector<16xi1>) -> (vector<16xi1>, vector<16xf32>, vector<16xi32>)
        %ge3A = arith.constant 2 : i32
        %ge3A_278 = vector.broadcast %ge3A : i32 to vector<16xi32>
        %ge3A_279 = arith.cmpi sge, %cond3A_220, %ge3A_278 : vector<16xi32>
        %and3A_280 = arith.andi %lt3A, %ge3A_279 : vector<16xi1>
        tpu.vector_store_idx %arg6[%broadcast_in_dim3A_272, %min3A_271], %masked_sort3A_277 masked %and3A_280 : memref<128x200xi32, #tpu.memory_space<vmem>>[vector<16xi32>, vector<16xi32>], vector<16xi32>, vector<16xi1>
      } else {
      }
    }
    %scan3A_47 = arith.constant 128 : i32
    %add3A_48 = arith.constant 0 : i32
    %add3A_49 = arith.addi %mul3A_2, %add3A_48 : i32
    %dma_start3A_50 = arith.constant 0 : i32
    %dma_start3A_51 = tpu.memref_slice %arg5[%add3A_49, %dma_start3A_50] : memref<16384x200xi32, #tpu.memory_space<hbm>> -> memref<128x200xi32, #tpu.memory_space<hbm>>
    %dma_start3A_52 = arith.constant 0 : i32
    %dma_start3A_53 = tpu.memref_slice %arg5[%add3A_49, %dma_start3A_52] : memref<16384x200xi32, #tpu.memory_space<hbm>> -> memref<128x200xi32, #tpu.memory_space<hbm>>
    tpu.enqueue_dma source(%arg6 : memref<128x200xi32, #tpu.memory_space<vmem>>) target(%dma_start3A_53 : memref<128x200xi32, #tpu.memory_space<hbm>>) target_semaphore(%arg15 : memref<!tpu.dma_semaphore, #tpu.memory_space<semaphore_mem>>)
    %dma_wait3A_54 = arith.constant 0 : i32
    %dma_wait3A_55 = tpu.memref_slice %arg5[%add3A_49, %dma_wait3A_54] : memref<16384x200xi32, #tpu.memory_space<hbm>> -> memref<128x200xi32, #tpu.memory_space<hbm>>
    %dma_wait3A_56 = arith.constant 0 : i32
    %dma_wait3A_57 = tpu.memref_slice %arg5[%add3A_49, %dma_wait3A_56] : memref<16384x200xi32, #tpu.memory_space<hbm>> -> memref<128x200xi32, #tpu.memory_space<hbm>>
    tpu.wait_dma2 semaphore(%arg15 : memref<!tpu.dma_semaphore, #tpu.memory_space<semaphore_mem>>) src(%arg6 : memref<128x200xi32, #tpu.memory_space<vmem>>) dst(%dma_wait3A_57 : memref<128x200xi32, #tpu.memory_space<hbm>>)
    %add3A_58 = arith.constant 256 : i32
    %add3A_59 = arith.addi %mul3A_2, %add3A_58 : i32
    %dma_start3A_60 = arith.constant 0 : i32
    %dma_start3A_61 = tpu.memref_slice %arg2[%add3A_59, %dma_start3A_60] : memref<16384x200xi32, #tpu.memory_space<hbm>> -> memref<128x200xi32, #tpu.memory_space<hbm>>
    %dma_start3A_62 = arith.constant 0 : i32
    %dma_start3A_63 = tpu.memref_slice %arg2[%add3A_59, %dma_start3A_62] : memref<16384x200xi32, #tpu.memory_space<hbm>> -> memref<128x200xi32, #tpu.memory_space<hbm>>
    tpu.enqueue_dma source(%dma_start3A_63 : memref<128x200xi32, #tpu.memory_space<hbm>>) target(%arg6 : memref<128x200xi32, #tpu.memory_space<vmem>>) target_semaphore(%arg13 : memref<!tpu.dma_semaphore, #tpu.memory_space<semaphore_mem>>)
    %dma_start3A_64 = arith.constant 0 : i32
    %dma_start3A_65 = tpu.memref_slice %arg3[%add3A_59, %dma_start3A_64] : memref<16384x16xf32, #tpu.memory_space<hbm>> -> memref<128x16xf32, #tpu.memory_space<hbm>>
    %dma_start3A_66 = arith.constant 0 : i32
    %dma_start3A_67 = tpu.memref_slice %arg3[%add3A_59, %dma_start3A_66] : memref<16384x16xf32, #tpu.memory_space<hbm>> -> memref<128x16xf32, #tpu.memory_space<hbm>>
    tpu.enqueue_dma source(%dma_start3A_67 : memref<128x16xf32, #tpu.memory_space<hbm>>) target(%arg7 : memref<128x16xf32, #tpu.memory_space<vmem>>) target_semaphore(%arg13 : memref<!tpu.dma_semaphore, #tpu.memory_space<semaphore_mem>>)
    %dma_start3A_68 = arith.constant 0 : i32
    %dma_start3A_69 = tpu.memref_slice %arg4[%add3A_59, %dma_start3A_68] : memref<16384x16xi32, #tpu.memory_space<hbm>> -> memref<128x16xi32, #tpu.memory_space<hbm>>
    %dma_start3A_70 = arith.constant 0 : i32
    %dma_start3A_71 = tpu.memref_slice %arg4[%add3A_59, %dma_start3A_70] : memref<16384x16xi32, #tpu.memory_space<hbm>> -> memref<128x16xi32, #tpu.memory_space<hbm>>
    tpu.enqueue_dma source(%dma_start3A_71 : memref<128x16xi32, #tpu.memory_space<hbm>>) target(%arg8 : memref<128x16xi32, #tpu.memory_space<vmem>>) target_semaphore(%arg13 : memref<!tpu.dma_semaphore, #tpu.memory_space<semaphore_mem>>)
    %dma_wait3A_72 = arith.constant 0 : i32
    %dma_wait3A_73 = tpu.memref_slice %arg2[%add3A_18, %dma_wait3A_72] : memref<16384x200xi32, #tpu.memory_space<hbm>> -> memref<128x200xi32, #tpu.memory_space<hbm>>
    %dma_wait3A_74 = arith.constant 0 : i32
    %dma_wait3A_75 = tpu.memref_slice %arg2[%add3A_18, %dma_wait3A_74] : memref<16384x200xi32, #tpu.memory_space<hbm>> -> memref<128x200xi32, #tpu.memory_space<hbm>>
    tpu.wait_dma2 semaphore(%arg14 : memref<!tpu.dma_semaphore, #tpu.memory_space<semaphore_mem>>) src(%dma_wait3A_75 : memref<128x200xi32, #tpu.memory_space<hbm>>) dst(%arg10 : memref<128x200xi32, #tpu.memory_space<vmem>>)
    %dma_wait3A_76 = arith.constant 0 : i32
    %dma_wait3A_77 = tpu.memref_slice %arg3[%add3A_18, %dma_wait3A_76] : memref<16384x16xf32, #tpu.memory_space<hbm>> -> memref<128x16xf32, #tpu.memory_space<hbm>>
    %dma_wait3A_78 = arith.constant 0 : i32
    %dma_wait3A_79 = tpu.memref_slice %arg3[%add3A_18, %dma_wait3A_78] : memref<16384x16xf32, #tpu.memory_space<hbm>> -> memref<128x16xf32, #tpu.memory_space<hbm>>
    tpu.wait_dma2 semaphore(%arg14 : memref<!tpu.dma_semaphore, #tpu.memory_space<semaphore_mem>>) src(%dma_wait3A_79 : memref<128x16xf32, #tpu.memory_space<hbm>>) dst(%arg11 : memref<128x16xf32, #tpu.memory_space<vmem>>)
    %dma_wait3A_80 = arith.constant 0 : i32
    %dma_wait3A_81 = tpu.memref_slice %arg4[%add3A_18, %dma_wait3A_80] : memref<16384x16xi32, #tpu.memory_space<hbm>> -> memref<128x16xi32, #tpu.memory_space<hbm>>
    %dma_wait3A_82 = arith.constant 0 : i32
    %dma_wait3A_83 = tpu.memref_slice %arg4[%add3A_18, %dma_wait3A_82] : memref<16384x16xi32, #tpu.memory_space<hbm>> -> memref<128x16xi32, #tpu.memory_space<hbm>>
    tpu.wait_dma2 semaphore(%arg14 : memref<!tpu.dma_semaphore, #tpu.memory_space<semaphore_mem>>) src(%dma_wait3A_83 : memref<128x16xi32, #tpu.memory_space<hbm>>) dst(%arg12 : memref<128x16xi32, #tpu.memory_space<vmem>>)
    %broadcast_in_dim3A_84 = arith.constant 1073741824 : i32
    %broadcast_in_dim3A_85 = vector.broadcast %broadcast_in_dim3A_84 : i32 to vector<16xi32>
    %scan3A_86 = arith.constant 0 : i32
    %scan3A_87 = arith.constant 128 : i32
    %scan3A_88 = arith.addi %scan3A_86, %scan3A_87 : i32
    %scan3A_89 = arith.constant 1 : i32
    scf.for %scan3A_173 = %scan3A_86 to %scan3A_88 step %scan3A_89  : i32 {
      %get3A = arith.index_cast %scan3A_173 : i32 to index
      %get3A_174 = arith.constant 0 : index
      %get3A_175 = tpu.vector_load %arg12[%get3A, %get3A_174] {strides = array<i32>} : memref<128x16xi32, #tpu.memory_space<vmem>>, vector<16xi32>,
      %slice3A = vector.extract_strided_slice %get3A_175 {offsets = [0], sizes = [1], strides = [1]} : vector<16xi32> to vector<1xi32>
      %squeeze3A = vector.extract %slice3A[0] : i32 from vector<1xi32>
      %ne3A = arith.constant 0 : i32
      %ne3A_176 = arith.cmpi ne, %squeeze3A, %ne3A : i32
      %convert_element_type3A = arith.extui %ne3A_176 : i1 to i32
      %cond3A = arith.constant 0 : i32
      %cond3A_177 = arith.cmpi ne, %convert_element_type3A, %cond3A : i32
      scf.if %cond3A_177 {
        %get3A_178 = arith.index_cast %scan3A_173 : i32 to index
        %get3A_179 = arith.constant 0 : index
        %get3A_180 = tpu.vector_load %arg11[%get3A_178, %get3A_179] {strides = array<i32>} : memref<128x16xf32, #tpu.memory_space<vmem>>, vector<16xf32>,
        %slice3A_181 = vector.extract_strided_slice %get3A_175 {offsets = [1], sizes = [1], strides = [1]} : vector<16xi32> to vector<1xi32>
        %squeeze3A_182 = vector.extract %slice3A_181[0] : i32 from vector<1xi32>
        %broadcast_in_dim3A_183 = vector.broadcast %squeeze3A_182 : i32 to vector<16xi32>
        %add3A_184 = arith.constant 15 : i32
        %add3A_185 = arith.addi %squeeze3A_182, %add3A_184 : i32
        %jit3A = arith.constant 16 : i32
        %div3A = arith.divsi %add3A_185, %jit3A : i32
        %sign3A = arith.constant 0 : i32
        %sign3A_186 = arith.cmpi sgt, %add3A_185, %sign3A : i32
        %sign3A_187 = arith.extui %sign3A_186 : i1 to i32
        %sign3A_188 = arith.constant 0 : i32
        %sign3A_189 = arith.cmpi slt, %add3A_185, %sign3A_188 : i32
        %sign3A_190 = arith.extui %sign3A_189 : i1 to i32
        %sign3A_191 = arith.subi %sign3A_187, %sign3A_190 : i32
        %sign3A_192 = arith.constant 0 : i32
        %sign3A_193 = arith.cmpi sgt, %jit3A, %sign3A_192 : i32
        %sign3A_194 = arith.extui %sign3A_193 : i1 to i32
        %sign3A_195 = arith.constant 0 : i32
        %sign3A_196 = arith.cmpi slt, %jit3A, %sign3A_195 : i32
        %sign3A_197 = arith.extui %sign3A_196 : i1 to i32
        %sign3A_198 = arith.subi %sign3A_194, %sign3A_197 : i32
        %ne3A_199 = arith.cmpi ne, %sign3A_191, %sign3A_198 : i32
        %rem3A = arith.remsi %add3A_185, %jit3A : i32
        %ne3A_200 = arith.constant 0 : i32
        %ne3A_201 = arith.cmpi ne, %rem3A, %ne3A_200 : i32
        %and3A = arith.andi %ne3A_199, %ne3A_201 : i1
        %sub3A = arith.constant 1 : i32
        %sub3A_202 = arith.subi %div3A, %sub3A : i32
        %select_n3A = arith.select %and3A, %sub3A_202, %div3A : i32
        %min3A = arith.constant 12 : i32
        %min3A_203 = arith.minsi %select_n3A, %min3A : i32
        %broadcast_in_dim3A_204 = arith.constant 0 : i32
        %broadcast_in_dim3A_205 = vector.broadcast %broadcast_in_dim3A_204 : i32 to vector<16xi32>
        %while3A = arith.constant 0 : i32
        %while3A_206 = arith.subi %min3A_203, %while3A : i32
        %while3A_207 = arith.addi %while3A, %while3A_206 : i32
        %while3A_208 = arith.constant 1 : i32
        %while3A_209 = arith.divsi %while3A_206, %while3A_208 : i32
        %while3A_210 = arith.muli %while3A_209, %while3A_208 : i32
        %while3A_211 = arith.addi %while3A, %while3A_210 : i32
        %while3A_212 = arith.constant 1 : i32
        %while3A_213 = scf.for %while3A_281 = %while3A to %while3A_211 step %while3A_212 iter_args(%while3A_282 = %broadcast_in_dim3A_205) -> (vector<16xi32>)  : i32 {
          %mul3A_283 = arith.constant 16 : i32
          %mul3A_284 = arith.muli %while3A_281, %mul3A_283 : i32
          %add3A_285 = vector.broadcast %mul3A_284 : i32 to vector<16xi32>
          %add3A_286 = arith.addi %iota3A, %add3A_285 : vector<16xi32>
          %get3A_287 = arith.index_cast %scan3A_173 : i32 to index
          %get3A_288 = arith.index_cast %mul3A_284 : i32 to index
          %get3A_289 = tpu.vector_load %arg10[%get3A_287, %get3A_288] {strides = array<i32>} : memref<128x200xi32, #tpu.memory_space<vmem>>, vector<16xi32>,
          %ne3A_290 = arith.constant 0 : i32
          %ne3A_291 = vector.broadcast %ne3A_290 : i32 to vector<16xi32>
          %ne3A_292 = arith.cmpi ne, %get3A_289, %ne3A_291 : vector<16xi32>
          %lt3A_293 = arith.cmpi slt, %add3A_286, %broadcast_in_dim3A_183 : vector<16xi32>
          %and3A_294 = arith.andi %ne3A_292, %lt3A_293 : vector<16xi1>
          %select_n3A_295 = arith.select %and3A_294, %add3A_286, %broadcast_in_dim3A_85 : vector<16xi1>, vector<16xi32>
          %masked_sort3A_296 = arith.constant dense<true> : vector<16xi1>
          %masked_sort3A_297 = arith.constant -2147483648 : i32
          %masked_sort3A_298 = vector.broadcast %masked_sort3A_297 : i32 to vector<16xi32>
          %masked_sort3A_299 = arith.xori %select_n3A_295, %masked_sort3A_298 : vector<16xi32>
          %masked_sort3A_300, %masked_sort3A_301, %masked_sort3A_302 = tpu.sort %masked_sort3A_299, %add3A_286 masked %masked_sort3A_296 : (vector<16xi32>, vector<16xi32>, vector<16xi1>) -> (vector<16xi1>, vector<16xi32>, vector<16xi32>)
          %masked_sort3A_303 = arith.xori %masked_sort3A_301, %masked_sort3A_298 : vector<16xi32>
          %all_reduce_population_count3A = tpu.all_reduce %and3A_294 {dim = 0 : i64, kind = #tpu.reduction_kind<sum>} : vector<16xi1> -> vector<16xi32>
          %add3A_304 = arith.addi %while3A_282, %iota3A : vector<16xi32>
          %lt3A_305 = arith.cmpi slt, %iota3A, %all_reduce_population_count3A : vector<16xi32>
          tpu.vector_store_idx %arg9[%add3A_304], %masked_sort3A_303 masked %lt3A_305 : memref<256xi32, #tpu.memory_space<vmem>>[vector<16xi32>], vector<16xi32>, vector<16xi1>
          %add3A_306 = arith.addi %while3A_282, %all_reduce_population_count3A : vector<16xi32>
          scf.yield %add3A_306 : vector<16xi32>
        }
        %while3A_214 = arith.constant 1 : i32
        %while3A_215 = scf.for %while3A_281 = %while3A_211 to %while3A_207 step %while3A_214 iter_args(%while3A_282 = %while3A_213) -> (vector<16xi32>)  : i32 {
          %mul3A_283 = arith.constant 16 : i32
          %mul3A_284 = arith.muli %while3A_281, %mul3A_283 : i32
          %add3A_285 = vector.broadcast %mul3A_284 : i32 to vector<16xi32>
          %add3A_286 = arith.addi %iota3A, %add3A_285 : vector<16xi32>
          %get3A_287 = arith.index_cast %scan3A_173 : i32 to index
          %get3A_288 = arith.index_cast %mul3A_284 : i32 to index
          %get3A_289 = tpu.vector_load %arg10[%get3A_287, %get3A_288] {strides = array<i32>} : memref<128x200xi32, #tpu.memory_space<vmem>>, vector<16xi32>,
          %ne3A_290 = arith.constant 0 : i32
          %ne3A_291 = vector.broadcast %ne3A_290 : i32 to vector<16xi32>
          %ne3A_292 = arith.cmpi ne, %get3A_289, %ne3A_291 : vector<16xi32>
          %lt3A_293 = arith.cmpi slt, %add3A_286, %broadcast_in_dim3A_183 : vector<16xi32>
          %and3A_294 = arith.andi %ne3A_292, %lt3A_293 : vector<16xi1>
          %select_n3A_295 = arith.select %and3A_294, %add3A_286, %broadcast_in_dim3A_85 : vector<16xi1>, vector<16xi32>
          %masked_sort3A_296 = arith.constant dense<true> : vector<16xi1>
          %masked_sort3A_297 = arith.constant -2147483648 : i32
          %masked_sort3A_298 = vector.broadcast %masked_sort3A_297 : i32 to vector<16xi32>
          %masked_sort3A_299 = arith.xori %select_n3A_295, %masked_sort3A_298 : vector<16xi32>
          %masked_sort3A_300, %masked_sort3A_301, %masked_sort3A_302 = tpu.sort %masked_sort3A_299, %add3A_286 masked %masked_sort3A_296 : (vector<16xi32>, vector<16xi32>, vector<16xi1>) -> (vector<16xi1>, vector<16xi32>, vector<16xi32>)
          %masked_sort3A_303 = arith.xori %masked_sort3A_301, %masked_sort3A_298 : vector<16xi32>
          %all_reduce_population_count3A = tpu.all_reduce %and3A_294 {dim = 0 : i64, kind = #tpu.reduction_kind<sum>} : vector<16xi1> -> vector<16xi32>
          %add3A_304 = arith.addi %while3A_282, %iota3A : vector<16xi32>
          %lt3A_305 = arith.cmpi slt, %iota3A, %all_reduce_population_count3A : vector<16xi32>
          tpu.vector_store_idx %arg9[%add3A_304], %masked_sort3A_303 masked %lt3A_305 : memref<256xi32, #tpu.memory_space<vmem>>[vector<16xi32>], vector<16xi32>, vector<16xi1>
          %add3A_306 = arith.addi %while3A_282, %all_reduce_population_count3A : vector<16xi32>
          scf.yield %add3A_306 : vector<16xi32>
        }
        %gt3A = arith.constant 192 : i32
        %gt3A_216 = arith.cmpi sgt, %squeeze3A_182, %gt3A : i32
        %convert_element_type3A_217 = arith.extui %gt3A_216 : i1 to i32
        %cond3A_218 = arith.constant 0 : i32
        %cond3A_219 = arith.cmpi ne, %convert_element_type3A_217, %cond3A_218 : i32
        %cond3A_220 = scf.if %cond3A_219 -> (vector<16xi32>) {
          %add3A_281 = arith.constant 184 : i32
          %add3A_282 = vector.broadcast %add3A_281 : i32 to vector<16xi32>
          %add3A_283 = arith.addi %iota3A, %add3A_282 : vector<16xi32>
          %get3A_284 = arith.index_cast %scan3A_173 : i32 to index
          %get3A_285 = arith.constant 184 : index
          %get3A_286 = tpu.vector_load %arg10[%get3A_284, %get3A_285] {strides = array<i32>} : memref<128x200xi32, #tpu.memory_space<vmem>>, vector<16xi32>,
          %ne3A_287 = arith.constant 0 : i32
          %ne3A_288 = vector.broadcast %ne3A_287 : i32 to vector<16xi32>
          %ne3A_289 = arith.cmpi ne, %get3A_286, %ne3A_288 : vector<16xi32>
          %lt3A_290 = arith.cmpi slt, %add3A_283, %broadcast_in_dim3A_183 : vector<16xi32>
          %and3A_291 = arith.andi %ne3A_289, %lt3A_290 : vector<16xi1>
          %ge3A_292 = arith.constant 192 : i32
          %ge3A_293 = vector.broadcast %ge3A_292 : i32 to vector<16xi32>
          %ge3A_294 = arith.cmpi sge, %add3A_283, %ge3A_293 : vector<16xi32>
          %and3A_295 = arith.andi %and3A_291, %ge3A_294 : vector<16xi1>
          %select_n3A_296 = arith.select %and3A_295, %add3A_283, %broadcast_in_dim3A_85 : vector<16xi1>, vector<16xi32>
          %masked_sort3A_297 = arith.constant dense<true> : vector<16xi1>
          %masked_sort3A_298 = arith.constant -2147483648 : i32
          %masked_sort3A_299 = vector.broadcast %masked_sort3A_298 : i32 to vector<16xi32>
          %masked_sort3A_300 = arith.xori %select_n3A_296, %masked_sort3A_299 : vector<16xi32>
          %masked_sort3A_301, %masked_sort3A_302, %masked_sort3A_303 = tpu.sort %masked_sort3A_300, %add3A_283 masked %masked_sort3A_297 : (vector<16xi32>, vector<16xi32>, vector<16xi1>) -> (vector<16xi1>, vector<16xi32>, vector<16xi32>)
          %masked_sort3A_304 = arith.xori %masked_sort3A_302, %masked_sort3A_299 : vector<16xi32>
          %all_reduce_population_count3A = tpu.all_reduce %and3A_295 {dim = 0 : i64, kind = #tpu.reduction_kind<sum>} : vector<16xi1> -> vector<16xi32>
          %add3A_305 = arith.addi %while3A_215, %iota3A : vector<16xi32>
          %lt3A_306 = arith.cmpi slt, %iota3A, %all_reduce_population_count3A : vector<16xi32>
          tpu.vector_store_idx %arg9[%add3A_305], %masked_sort3A_304 masked %lt3A_306 : memref<256xi32, #tpu.memory_space<vmem>>[vector<16xi32>], vector<16xi32>, vector<16xi1>
          %add3A_307 = arith.addi %while3A_215, %all_reduce_population_count3A : vector<16xi32>
          scf.yield %add3A_307 : vector<16xi32>
        } else {
          scf.yield %while3A_215 : vector<16xi32>
        }
        %convert_element_type3A_221 = arith.sitofp %cond3A_220 : vector<16xi32> to vector<16xf32>
        %slice3A_222 = vector.extract_strided_slice %get3A_180 {offsets = [5], sizes = [1], strides = [1]} : vector<16xf32> to vector<1xf32>
        %squeeze3A_223 = vector.extract %slice3A_222[0] : f32 from vector<1xf32>
        %broadcast_in_dim3A_224 = vector.broadcast %squeeze3A_223 : f32 to vector<16xf32>
        %slice3A_225 = vector.extract_strided_slice %get3A_180 {offsets = [6], sizes = [1], strides = [1]} : vector<16xf32> to vector<1xf32>
        %squeeze3A_226 = vector.extract %slice3A_225[0] : f32 from vector<1xf32>
        %broadcast_in_dim3A_227 = vector.broadcast %squeeze3A_226 : f32 to vector<16xf32>
        %min3A_228 = arith.constant 5.000000e+00 : f32
        %min3A_229 = vector.broadcast %min3A_228 : f32 to vector<16xf32>
        %min3A_230 = arith.minimumf %convert_element_type3A_221, %min3A_229 : vector<16xf32>
        %sub3A_231 = arith.constant 1.000000e+00 : f32
        %sub3A_232 = vector.broadcast %sub3A_231 : f32 to vector<16xf32>
        %sub3A_233 = arith.subf %min3A_230, %sub3A_232 : vector<16xf32>
        %max3A = arith.constant 1.000000e+00 : f32
        %max3A_234 = vector.broadcast %max3A : f32 to vector<16xf32>
        %max3A_235 = arith.maximumf %sub3A_233, %max3A_234 : vector<16xf32>
        %mul3A_236 = arith.mulf %broadcast_in_dim3A_224, %max3A_235 : vector<16xf32>
        %convert_element_type3A_237 = arith.fptosi %mul3A_236 : vector<16xf32> to vector<16xi32>
        %add3A_238 = arith.constant 2 : i32
        %add3A_239 = vector.broadcast %add3A_238 : i32 to vector<16xi32>
        %add3A_240 = arith.addi %add3A_239, %convert_element_type3A_237 : vector<16xi32>
        %convert_element_type3A_241 = arith.fptosi %min3A_230 : vector<16xf32> to vector<16xi32>
        %max3A_242 = arith.constant 2 : i32
        %max3A_243 = vector.broadcast %max3A_242 : i32 to vector<16xi32>
        %max3A_244 = arith.maxsi %convert_element_type3A_241, %max3A_243 : vector<16xi32>
        %jit3A_245 = arith.constant 2 : i32
        %max3A_246 = vector.broadcast %jit3A_245 : i32 to vector<16xi32>
        %max3A_247 = arith.maxsi %max3A_246, %add3A_240 : vector<16xi32>
        %min3A_248 = arith.minsi %max3A_244, %max3A_247 : vector<16xi32>
        %convert_element_type3A_249 = arith.sitofp %min3A_248 : vector<16xi32> to vector<16xf32>
        %sub3A_250 = arith.subf %convert_element_type3A_221, %convert_element_type3A_249 : vector<16xf32>
        %add3A_251 = arith.constant 1.000000e+00 : f32
        %add3A_252 = vector.broadcast %add3A_251 : f32 to vector<16xf32>
        %add3A_253 = arith.addf %sub3A_250, %add3A_252 : vector<16xf32>
        %max3A_254 = arith.constant 1.000000e+00 : f32
        %max3A_255 = vector.broadcast %max3A_254 : f32 to vector<16xf32>
        %max3A_256 = arith.maximumf %add3A_253, %max3A_255 : vector<16xf32>
        %mul3A_257 = arith.mulf %broadcast_in_dim3A_227, %max3A_256 : vector<16xf32>
        %convert_element_type3A_258 = arith.fptosi %mul3A_257 : vector<16xf32> to vector<16xi32>
        %add3A_259 = arith.addi %convert_element_type3A_258, %iota3A : vector<16xi32>
        %jit3A_260 = arith.constant 0 : i32
        %jit3A_261 = arith.constant 199 : i32
        %max3A_262 = vector.broadcast %jit3A_260 : i32 to vector<16xi32>
        %max3A_263 = arith.maxsi %max3A_262, %add3A_259 : vector<16xi32>
        %min3A_264 = vector.broadcast %jit3A_261 : i32 to vector<16xi32>
        %min3A_265 = arith.minsi %min3A_264, %max3A_263 : vector<16xi32>
        %gather3A = tpu.vector_load_idx %arg9[%min3A_265] : memref<256xi32, #tpu.memory_space<vmem>>[vector<16xi32>], vector<16xi32>,
        %jit3A_266 = arith.constant 0 : i32
        %jit3A_267 = arith.constant 199 : i32
        %max3A_268 = vector.broadcast %jit3A_266 : i32 to vector<16xi32>
        %max3A_269 = arith.maxsi %max3A_268, %gather3A : vector<16xi32>
        %min3A_270 = vector.broadcast %jit3A_267 : i32 to vector<16xi32>
        %min3A_271 = arith.minsi %min3A_270, %max3A_269 : vector<16xi32>
        %broadcast_in_dim3A_272 = vector.broadcast %scan3A_173 : i32 to vector<16xi32>
        %gather3A_273 = tpu.vector_load_idx %arg10[%broadcast_in_dim3A_272, %min3A_271] : memref<128x200xi32, #tpu.memory_space<vmem>>[vector<16xi32>, vector<16xi32>], vector<16xi32>,
        %lt3A = arith.cmpi slt, %iota3A, %min3A_248 : vector<16xi32>
        %select_n3A_274 = arith.select %lt3A, %get3A_180, %broadcast_in_dim3A_3 : vector<16xi1>, vector<16xf32>
        %masked_sort3A = arith.constant dense<true> : vector<16xi1>
        %masked_sort3A_275, %masked_sort3A_276, %masked_sort3A_277 = tpu.sort %select_n3A_274, %gather3A_273 masked %masked_sort3A : (vector<16xf32>, vector<16xi32>, vector<16xi1>) -> (vector<16xi1>, vector<16xf32>, vector<16xi32>)
        %ge3A = arith.constant 2 : i32
        %ge3A_278 = vector.broadcast %ge3A : i32 to vector<16xi32>
        %ge3A_279 = arith.cmpi sge, %cond3A_220, %ge3A_278 : vector<16xi32>
        %and3A_280 = arith.andi %lt3A, %ge3A_279 : vector<16xi1>
        tpu.vector_store_idx %arg10[%broadcast_in_dim3A_272, %min3A_271], %masked_sort3A_277 masked %and3A_280 : memref<128x200xi32, #tpu.memory_space<vmem>>[vector<16xi32>, vector<16xi32>], vector<16xi32>, vector<16xi1>
      } else {
      }
    }
    %scan3A_90 = arith.constant 128 : i32
    %add3A_91 = arith.constant 128 : i32
    %add3A_92 = arith.addi %mul3A_2, %add3A_91 : i32
    %dma_start3A_93 = arith.constant 0 : i32
    %dma_start3A_94 = tpu.memref_slice %arg5[%add3A_92, %dma_start3A_93] : memref<16384x200xi32, #tpu.memory_space<hbm>> -> memref<128x200xi32, #tpu.memory_space<hbm>>
    %dma_start3A_95 = arith.constant 0 : i32
    %dma_start3A_96 = tpu.memref_slice %arg5[%add3A_92, %dma_start3A_95] : memref<16384x200xi32, #tpu.memory_space<hbm>> -> memref<128x200xi32, #tpu.memory_space<hbm>>
    tpu.enqueue_dma source(%arg10 : memref<128x200xi32, #tpu.memory_space<vmem>>) target(%dma_start3A_96 : memref<128x200xi32, #tpu.memory_space<hbm>>) target_semaphore(%arg16 : memref<!tpu.dma_semaphore, #tpu.memory_space<semaphore_mem>>)
    %dma_wait3A_97 = arith.constant 0 : i32
    %dma_wait3A_98 = tpu.memref_slice %arg5[%add3A_92, %dma_wait3A_97] : memref<16384x200xi32, #tpu.memory_space<hbm>> -> memref<128x200xi32, #tpu.memory_space<hbm>>
    %dma_wait3A_99 = arith.constant 0 : i32
    %dma_wait3A_100 = tpu.memref_slice %arg5[%add3A_92, %dma_wait3A_99] : memref<16384x200xi32, #tpu.memory_space<hbm>> -> memref<128x200xi32, #tpu.memory_space<hbm>>
    tpu.wait_dma2 semaphore(%arg16 : memref<!tpu.dma_semaphore, #tpu.memory_space<semaphore_mem>>) src(%arg10 : memref<128x200xi32, #tpu.memory_space<vmem>>) dst(%dma_wait3A_100 : memref<128x200xi32, #tpu.memory_space<hbm>>)
    %add3A_101 = arith.constant 384 : i32
    %add3A_102 = arith.addi %mul3A_2, %add3A_101 : i32
    %dma_start3A_103 = arith.constant 0 : i32
    %dma_start3A_104 = tpu.memref_slice %arg2[%add3A_102, %dma_start3A_103] : memref<16384x200xi32, #tpu.memory_space<hbm>> -> memref<128x200xi32, #tpu.memory_space<hbm>>
    %dma_start3A_105 = arith.constant 0 : i32
    %dma_start3A_106 = tpu.memref_slice %arg2[%add3A_102, %dma_start3A_105] : memref<16384x200xi32, #tpu.memory_space<hbm>> -> memref<128x200xi32, #tpu.memory_space<hbm>>
    tpu.enqueue_dma source(%dma_start3A_106 : memref<128x200xi32, #tpu.memory_space<hbm>>) target(%arg10 : memref<128x200xi32, #tpu.memory_space<vmem>>) target_semaphore(%arg14 : memref<!tpu.dma_semaphore, #tpu.memory_space<semaphore_mem>>)
    %dma_start3A_107 = arith.constant 0 : i32
    %dma_start3A_108 = tpu.memref_slice %arg3[%add3A_102, %dma_start3A_107] : memref<16384x16xf32, #tpu.memory_space<hbm>> -> memref<128x16xf32, #tpu.memory_space<hbm>>
    %dma_start3A_109 = arith.constant 0 : i32
    %dma_start3A_110 = tpu.memref_slice %arg3[%add3A_102, %dma_start3A_109] : memref<16384x16xf32, #tpu.memory_space<hbm>> -> memref<128x16xf32, #tpu.memory_space<hbm>>
    tpu.enqueue_dma source(%dma_start3A_110 : memref<128x16xf32, #tpu.memory_space<hbm>>) target(%arg11 : memref<128x16xf32, #tpu.memory_space<vmem>>) target_semaphore(%arg14 : memref<!tpu.dma_semaphore, #tpu.memory_space<semaphore_mem>>)
    %dma_start3A_111 = arith.constant 0 : i32
    %dma_start3A_112 = tpu.memref_slice %arg4[%add3A_102, %dma_start3A_111] : memref<16384x16xi32, #tpu.memory_space<hbm>> -> memref<128x16xi32, #tpu.memory_space<hbm>>
    %dma_start3A_113 = arith.constant 0 : i32
    %dma_start3A_114 = tpu.memref_slice %arg4[%add3A_102, %dma_start3A_113] : memref<16384x16xi32, #tpu.memory_space<hbm>> -> memref<128x16xi32, #tpu.memory_space<hbm>>
    tpu.enqueue_dma source(%dma_start3A_114 : memref<128x16xi32, #tpu.memory_space<hbm>>) target(%arg12 : memref<128x16xi32, #tpu.memory_space<vmem>>) target_semaphore(%arg14 : memref<!tpu.dma_semaphore, #tpu.memory_space<semaphore_mem>>)
    %dma_wait3A_115 = arith.constant 0 : i32
    %dma_wait3A_116 = tpu.memref_slice %arg2[%add3A_59, %dma_wait3A_115] : memref<16384x200xi32, #tpu.memory_space<hbm>> -> memref<128x200xi32, #tpu.memory_space<hbm>>
    %dma_wait3A_117 = arith.constant 0 : i32
    %dma_wait3A_118 = tpu.memref_slice %arg2[%add3A_59, %dma_wait3A_117] : memref<16384x200xi32, #tpu.memory_space<hbm>> -> memref<128x200xi32, #tpu.memory_space<hbm>>
    tpu.wait_dma2 semaphore(%arg13 : memref<!tpu.dma_semaphore, #tpu.memory_space<semaphore_mem>>) src(%dma_wait3A_118 : memref<128x200xi32, #tpu.memory_space<hbm>>) dst(%arg6 : memref<128x200xi32, #tpu.memory_space<vmem>>)
    %dma_wait3A_119 = arith.constant 0 : i32
    %dma_wait3A_120 = tpu.memref_slice %arg3[%add3A_59, %dma_wait3A_119] : memref<16384x16xf32, #tpu.memory_space<hbm>> -> memref<128x16xf32, #tpu.memory_space<hbm>>
    %dma_wait3A_121 = arith.constant 0 : i32
    %dma_wait3A_122 = tpu.memref_slice %arg3[%add3A_59, %dma_wait3A_121] : memref<16384x16xf32, #tpu.memory_space<hbm>> -> memref<128x16xf32, #tpu.memory_space<hbm>>
    tpu.wait_dma2 semaphore(%arg13 : memref<!tpu.dma_semaphore, #tpu.memory_space<semaphore_mem>>) src(%dma_wait3A_122 : memref<128x16xf32, #tpu.memory_space<hbm>>) dst(%arg7 : memref<128x16xf32, #tpu.memory_space<vmem>>)
    %dma_wait3A_123 = arith.constant 0 : i32
    %dma_wait3A_124 = tpu.memref_slice %arg4[%add3A_59, %dma_wait3A_123] : memref<16384x16xi32, #tpu.memory_space<hbm>> -> memref<128x16xi32, #tpu.memory_space<hbm>>
    %dma_wait3A_125 = arith.constant 0 : i32
    %dma_wait3A_126 = tpu.memref_slice %arg4[%add3A_59, %dma_wait3A_125] : memref<16384x16xi32, #tpu.memory_space<hbm>> -> memref<128x16xi32, #tpu.memory_space<hbm>>
    tpu.wait_dma2 semaphore(%arg13 : memref<!tpu.dma_semaphore, #tpu.memory_space<semaphore_mem>>) src(%dma_wait3A_126 : memref<128x16xi32, #tpu.memory_space<hbm>>) dst(%arg8 : memref<128x16xi32, #tpu.memory_space<vmem>>)
    %broadcast_in_dim3A_127 = arith.constant 1073741824 : i32
    %broadcast_in_dim3A_128 = vector.broadcast %broadcast_in_dim3A_127 : i32 to vector<16xi32>
    %scan3A_129 = arith.constant 0 : i32
    %scan3A_130 = arith.constant 128 : i32
    %scan3A_131 = arith.addi %scan3A_129, %scan3A_130 : i32
    %scan3A_132 = arith.constant 1 : i32
    scf.for %scan3A_173 = %scan3A_129 to %scan3A_131 step %scan3A_132  : i32 {
      %get3A = arith.index_cast %scan3A_173 : i32 to index
      %get3A_174 = arith.constant 0 : index
      %get3A_175 = tpu.vector_load %arg8[%get3A, %get3A_174] {strides = array<i32>} : memref<128x16xi32, #tpu.memory_space<vmem>>, vector<16xi32>,
      %slice3A = vector.extract_strided_slice %get3A_175 {offsets = [0], sizes = [1], strides = [1]} : vector<16xi32> to vector<1xi32>
      %squeeze3A = vector.extract %slice3A[0] : i32 from vector<1xi32>
      %ne3A = arith.constant 0 : i32
      %ne3A_176 = arith.cmpi ne, %squeeze3A, %ne3A : i32
      %convert_element_type3A = arith.extui %ne3A_176 : i1 to i32
      %cond3A = arith.constant 0 : i32
      %cond3A_177 = arith.cmpi ne, %convert_element_type3A, %cond3A : i32
      scf.if %cond3A_177 {
        %get3A_178 = arith.index_cast %scan3A_173 : i32 to index
        %get3A_179 = arith.constant 0 : index
        %get3A_180 = tpu.vector_load %arg7[%get3A_178, %get3A_179] {strides = array<i32>} : memref<128x16xf32, #tpu.memory_space<vmem>>, vector<16xf32>,
        %slice3A_181 = vector.extract_strided_slice %get3A_175 {offsets = [1], sizes = [1], strides = [1]} : vector<16xi32> to vector<1xi32>
        %squeeze3A_182 = vector.extract %slice3A_181[0] : i32 from vector<1xi32>
        %broadcast_in_dim3A_183 = vector.broadcast %squeeze3A_182 : i32 to vector<16xi32>
        %add3A_184 = arith.constant 15 : i32
        %add3A_185 = arith.addi %squeeze3A_182, %add3A_184 : i32
        %jit3A = arith.constant 16 : i32
        %div3A = arith.divsi %add3A_185, %jit3A : i32
        %sign3A = arith.constant 0 : i32
        %sign3A_186 = arith.cmpi sgt, %add3A_185, %sign3A : i32
        %sign3A_187 = arith.extui %sign3A_186 : i1 to i32
        %sign3A_188 = arith.constant 0 : i32
        %sign3A_189 = arith.cmpi slt, %add3A_185, %sign3A_188 : i32
        %sign3A_190 = arith.extui %sign3A_189 : i1 to i32
        %sign3A_191 = arith.subi %sign3A_187, %sign3A_190 : i32
        %sign3A_192 = arith.constant 0 : i32
        %sign3A_193 = arith.cmpi sgt, %jit3A, %sign3A_192 : i32
        %sign3A_194 = arith.extui %sign3A_193 : i1 to i32
        %sign3A_195 = arith.constant 0 : i32
        %sign3A_196 = arith.cmpi slt, %jit3A, %sign3A_195 : i32
        %sign3A_197 = arith.extui %sign3A_196 : i1 to i32
        %sign3A_198 = arith.subi %sign3A_194, %sign3A_197 : i32
        %ne3A_199 = arith.cmpi ne, %sign3A_191, %sign3A_198 : i32
        %rem3A = arith.remsi %add3A_185, %jit3A : i32
        %ne3A_200 = arith.constant 0 : i32
        %ne3A_201 = arith.cmpi ne, %rem3A, %ne3A_200 : i32
        %and3A = arith.andi %ne3A_199, %ne3A_201 : i1
        %sub3A = arith.constant 1 : i32
        %sub3A_202 = arith.subi %div3A, %sub3A : i32
        %select_n3A = arith.select %and3A, %sub3A_202, %div3A : i32
        %min3A = arith.constant 12 : i32
        %min3A_203 = arith.minsi %select_n3A, %min3A : i32
        %broadcast_in_dim3A_204 = arith.constant 0 : i32
        %broadcast_in_dim3A_205 = vector.broadcast %broadcast_in_dim3A_204 : i32 to vector<16xi32>
        %while3A = arith.constant 0 : i32
        %while3A_206 = arith.subi %min3A_203, %while3A : i32
        %while3A_207 = arith.addi %while3A, %while3A_206 : i32
        %while3A_208 = arith.constant 1 : i32
        %while3A_209 = arith.divsi %while3A_206, %while3A_208 : i32
        %while3A_210 = arith.muli %while3A_209, %while3A_208 : i32
        %while3A_211 = arith.addi %while3A, %while3A_210 : i32
        %while3A_212 = arith.constant 1 : i32
        %while3A_213 = scf.for %while3A_281 = %while3A to %while3A_211 step %while3A_212 iter_args(%while3A_282 = %broadcast_in_dim3A_205) -> (vector<16xi32>)  : i32 {
          %mul3A_283 = arith.constant 16 : i32
          %mul3A_284 = arith.muli %while3A_281, %mul3A_283 : i32
          %add3A_285 = vector.broadcast %mul3A_284 : i32 to vector<16xi32>
          %add3A_286 = arith.addi %iota3A, %add3A_285 : vector<16xi32>
          %get3A_287 = arith.index_cast %scan3A_173 : i32 to index
          %get3A_288 = arith.index_cast %mul3A_284 : i32 to index
          %get3A_289 = tpu.vector_load %arg6[%get3A_287, %get3A_288] {strides = array<i32>} : memref<128x200xi32, #tpu.memory_space<vmem>>, vector<16xi32>,
          %ne3A_290 = arith.constant 0 : i32
          %ne3A_291 = vector.broadcast %ne3A_290 : i32 to vector<16xi32>
          %ne3A_292 = arith.cmpi ne, %get3A_289, %ne3A_291 : vector<16xi32>
          %lt3A_293 = arith.cmpi slt, %add3A_286, %broadcast_in_dim3A_183 : vector<16xi32>
          %and3A_294 = arith.andi %ne3A_292, %lt3A_293 : vector<16xi1>
          %select_n3A_295 = arith.select %and3A_294, %add3A_286, %broadcast_in_dim3A_128 : vector<16xi1>, vector<16xi32>
          %masked_sort3A_296 = arith.constant dense<true> : vector<16xi1>
          %masked_sort3A_297 = arith.constant -2147483648 : i32
          %masked_sort3A_298 = vector.broadcast %masked_sort3A_297 : i32 to vector<16xi32>
          %masked_sort3A_299 = arith.xori %select_n3A_295, %masked_sort3A_298 : vector<16xi32>
          %masked_sort3A_300, %masked_sort3A_301, %masked_sort3A_302 = tpu.sort %masked_sort3A_299, %add3A_286 masked %masked_sort3A_296 : (vector<16xi32>, vector<16xi32>, vector<16xi1>) -> (vector<16xi1>, vector<16xi32>, vector<16xi32>)
          %masked_sort3A_303 = arith.xori %masked_sort3A_301, %masked_sort3A_298 : vector<16xi32>
          %all_reduce_population_count3A = tpu.all_reduce %and3A_294 {dim = 0 : i64, kind = #tpu.reduction_kind<sum>} : vector<16xi1> -> vector<16xi32>
          %add3A_304 = arith.addi %while3A_282, %iota3A : vector<16xi32>
          %lt3A_305 = arith.cmpi slt, %iota3A, %all_reduce_population_count3A : vector<16xi32>
          tpu.vector_store_idx %arg9[%add3A_304], %masked_sort3A_303 masked %lt3A_305 : memref<256xi32, #tpu.memory_space<vmem>>[vector<16xi32>], vector<16xi32>, vector<16xi1>
          %add3A_306 = arith.addi %while3A_282, %all_reduce_population_count3A : vector<16xi32>
          scf.yield %add3A_306 : vector<16xi32>
        }
        %while3A_214 = arith.constant 1 : i32
        %while3A_215 = scf.for %while3A_281 = %while3A_211 to %while3A_207 step %while3A_214 iter_args(%while3A_282 = %while3A_213) -> (vector<16xi32>)  : i32 {
          %mul3A_283 = arith.constant 16 : i32
          %mul3A_284 = arith.muli %while3A_281, %mul3A_283 : i32
          %add3A_285 = vector.broadcast %mul3A_284 : i32 to vector<16xi32>
          %add3A_286 = arith.addi %iota3A, %add3A_285 : vector<16xi32>
          %get3A_287 = arith.index_cast %scan3A_173 : i32 to index
          %get3A_288 = arith.index_cast %mul3A_284 : i32 to index
          %get3A_289 = tpu.vector_load %arg6[%get3A_287, %get3A_288] {strides = array<i32>} : memref<128x200xi32, #tpu.memory_space<vmem>>, vector<16xi32>,
          %ne3A_290 = arith.constant 0 : i32
          %ne3A_291 = vector.broadcast %ne3A_290 : i32 to vector<16xi32>
          %ne3A_292 = arith.cmpi ne, %get3A_289, %ne3A_291 : vector<16xi32>
          %lt3A_293 = arith.cmpi slt, %add3A_286, %broadcast_in_dim3A_183 : vector<16xi32>
          %and3A_294 = arith.andi %ne3A_292, %lt3A_293 : vector<16xi1>
          %select_n3A_295 = arith.select %and3A_294, %add3A_286, %broadcast_in_dim3A_128 : vector<16xi1>, vector<16xi32>
          %masked_sort3A_296 = arith.constant dense<true> : vector<16xi1>
          %masked_sort3A_297 = arith.constant -2147483648 : i32
          %masked_sort3A_298 = vector.broadcast %masked_sort3A_297 : i32 to vector<16xi32>
          %masked_sort3A_299 = arith.xori %select_n3A_295, %masked_sort3A_298 : vector<16xi32>
          %masked_sort3A_300, %masked_sort3A_301, %masked_sort3A_302 = tpu.sort %masked_sort3A_299, %add3A_286 masked %masked_sort3A_296 : (vector<16xi32>, vector<16xi32>, vector<16xi1>) -> (vector<16xi1>, vector<16xi32>, vector<16xi32>)
          %masked_sort3A_303 = arith.xori %masked_sort3A_301, %masked_sort3A_298 : vector<16xi32>
          %all_reduce_population_count3A = tpu.all_reduce %and3A_294 {dim = 0 : i64, kind = #tpu.reduction_kind<sum>} : vector<16xi1> -> vector<16xi32>
          %add3A_304 = arith.addi %while3A_282, %iota3A : vector<16xi32>
          %lt3A_305 = arith.cmpi slt, %iota3A, %all_reduce_population_count3A : vector<16xi32>
          tpu.vector_store_idx %arg9[%add3A_304], %masked_sort3A_303 masked %lt3A_305 : memref<256xi32, #tpu.memory_space<vmem>>[vector<16xi32>], vector<16xi32>, vector<16xi1>
          %add3A_306 = arith.addi %while3A_282, %all_reduce_population_count3A : vector<16xi32>
          scf.yield %add3A_306 : vector<16xi32>
        }
        %gt3A = arith.constant 192 : i32
        %gt3A_216 = arith.cmpi sgt, %squeeze3A_182, %gt3A : i32
        %convert_element_type3A_217 = arith.extui %gt3A_216 : i1 to i32
        %cond3A_218 = arith.constant 0 : i32
        %cond3A_219 = arith.cmpi ne, %convert_element_type3A_217, %cond3A_218 : i32
        %cond3A_220 = scf.if %cond3A_219 -> (vector<16xi32>) {
          %add3A_281 = arith.constant 184 : i32
          %add3A_282 = vector.broadcast %add3A_281 : i32 to vector<16xi32>
          %add3A_283 = arith.addi %iota3A, %add3A_282 : vector<16xi32>
          %get3A_284 = arith.index_cast %scan3A_173 : i32 to index
          %get3A_285 = arith.constant 184 : index
          %get3A_286 = tpu.vector_load %arg6[%get3A_284, %get3A_285] {strides = array<i32>} : memref<128x200xi32, #tpu.memory_space<vmem>>, vector<16xi32>,
          %ne3A_287 = arith.constant 0 : i32
          %ne3A_288 = vector.broadcast %ne3A_287 : i32 to vector<16xi32>
          %ne3A_289 = arith.cmpi ne, %get3A_286, %ne3A_288 : vector<16xi32>
          %lt3A_290 = arith.cmpi slt, %add3A_283, %broadcast_in_dim3A_183 : vector<16xi32>
          %and3A_291 = arith.andi %ne3A_289, %lt3A_290 : vector<16xi1>
          %ge3A_292 = arith.constant 192 : i32
          %ge3A_293 = vector.broadcast %ge3A_292 : i32 to vector<16xi32>
          %ge3A_294 = arith.cmpi sge, %add3A_283, %ge3A_293 : vector<16xi32>
          %and3A_295 = arith.andi %and3A_291, %ge3A_294 : vector<16xi1>
          %select_n3A_296 = arith.select %and3A_295, %add3A_283, %broadcast_in_dim3A_128 : vector<16xi1>, vector<16xi32>
          %masked_sort3A_297 = arith.constant dense<true> : vector<16xi1>
          %masked_sort3A_298 = arith.constant -2147483648 : i32
          %masked_sort3A_299 = vector.broadcast %masked_sort3A_298 : i32 to vector<16xi32>
          %masked_sort3A_300 = arith.xori %select_n3A_296, %masked_sort3A_299 : vector<16xi32>
          %masked_sort3A_301, %masked_sort3A_302, %masked_sort3A_303 = tpu.sort %masked_sort3A_300, %add3A_283 masked %masked_sort3A_297 : (vector<16xi32>, vector<16xi32>, vector<16xi1>) -> (vector<16xi1>, vector<16xi32>, vector<16xi32>)
          %masked_sort3A_304 = arith.xori %masked_sort3A_302, %masked_sort3A_299 : vector<16xi32>
          %all_reduce_population_count3A = tpu.all_reduce %and3A_295 {dim = 0 : i64, kind = #tpu.reduction_kind<sum>} : vector<16xi1> -> vector<16xi32>
          %add3A_305 = arith.addi %while3A_215, %iota3A : vector<16xi32>
          %lt3A_306 = arith.cmpi slt, %iota3A, %all_reduce_population_count3A : vector<16xi32>
          tpu.vector_store_idx %arg9[%add3A_305], %masked_sort3A_304 masked %lt3A_306 : memref<256xi32, #tpu.memory_space<vmem>>[vector<16xi32>], vector<16xi32>, vector<16xi1>
          %add3A_307 = arith.addi %while3A_215, %all_reduce_population_count3A : vector<16xi32>
          scf.yield %add3A_307 : vector<16xi32>
        } else {
          scf.yield %while3A_215 : vector<16xi32>
        }
        %convert_element_type3A_221 = arith.sitofp %cond3A_220 : vector<16xi32> to vector<16xf32>
        %slice3A_222 = vector.extract_strided_slice %get3A_180 {offsets = [5], sizes = [1], strides = [1]} : vector<16xf32> to vector<1xf32>
        %squeeze3A_223 = vector.extract %slice3A_222[0] : f32 from vector<1xf32>
        %broadcast_in_dim3A_224 = vector.broadcast %squeeze3A_223 : f32 to vector<16xf32>
        %slice3A_225 = vector.extract_strided_slice %get3A_180 {offsets = [6], sizes = [1], strides = [1]} : vector<16xf32> to vector<1xf32>
        %squeeze3A_226 = vector.extract %slice3A_225[0] : f32 from vector<1xf32>
        %broadcast_in_dim3A_227 = vector.broadcast %squeeze3A_226 : f32 to vector<16xf32>
        %min3A_228 = arith.constant 5.000000e+00 : f32
        %min3A_229 = vector.broadcast %min3A_228 : f32 to vector<16xf32>
        %min3A_230 = arith.minimumf %convert_element_type3A_221, %min3A_229 : vector<16xf32>
        %sub3A_231 = arith.constant 1.000000e+00 : f32
        %sub3A_232 = vector.broadcast %sub3A_231 : f32 to vector<16xf32>
        %sub3A_233 = arith.subf %min3A_230, %sub3A_232 : vector<16xf32>
        %max3A = arith.constant 1.000000e+00 : f32
        %max3A_234 = vector.broadcast %max3A : f32 to vector<16xf32>
        %max3A_235 = arith.maximumf %sub3A_233, %max3A_234 : vector<16xf32>
        %mul3A_236 = arith.mulf %broadcast_in_dim3A_224, %max3A_235 : vector<16xf32>
        %convert_element_type3A_237 = arith.fptosi %mul3A_236 : vector<16xf32> to vector<16xi32>
        %add3A_238 = arith.constant 2 : i32
        %add3A_239 = vector.broadcast %add3A_238 : i32 to vector<16xi32>
        %add3A_240 = arith.addi %add3A_239, %convert_element_type3A_237 : vector<16xi32>
        %convert_element_type3A_241 = arith.fptosi %min3A_230 : vector<16xf32> to vector<16xi32>
        %max3A_242 = arith.constant 2 : i32
        %max3A_243 = vector.broadcast %max3A_242 : i32 to vector<16xi32>
        %max3A_244 = arith.maxsi %convert_element_type3A_241, %max3A_243 : vector<16xi32>
        %jit3A_245 = arith.constant 2 : i32
        %max3A_246 = vector.broadcast %jit3A_245 : i32 to vector<16xi32>
        %max3A_247 = arith.maxsi %max3A_246, %add3A_240 : vector<16xi32>
        %min3A_248 = arith.minsi %max3A_244, %max3A_247 : vector<16xi32>
        %convert_element_type3A_249 = arith.sitofp %min3A_248 : vector<16xi32> to vector<16xf32>
        %sub3A_250 = arith.subf %convert_element_type3A_221, %convert_element_type3A_249 : vector<16xf32>
        %add3A_251 = arith.constant 1.000000e+00 : f32
        %add3A_252 = vector.broadcast %add3A_251 : f32 to vector<16xf32>
        %add3A_253 = arith.addf %sub3A_250, %add3A_252 : vector<16xf32>
        %max3A_254 = arith.constant 1.000000e+00 : f32
        %max3A_255 = vector.broadcast %max3A_254 : f32 to vector<16xf32>
        %max3A_256 = arith.maximumf %add3A_253, %max3A_255 : vector<16xf32>
        %mul3A_257 = arith.mulf %broadcast_in_dim3A_227, %max3A_256 : vector<16xf32>
        %convert_element_type3A_258 = arith.fptosi %mul3A_257 : vector<16xf32> to vector<16xi32>
        %add3A_259 = arith.addi %convert_element_type3A_258, %iota3A : vector<16xi32>
        %jit3A_260 = arith.constant 0 : i32
        %jit3A_261 = arith.constant 199 : i32
        %max3A_262 = vector.broadcast %jit3A_260 : i32 to vector<16xi32>
        %max3A_263 = arith.maxsi %max3A_262, %add3A_259 : vector<16xi32>
        %min3A_264 = vector.broadcast %jit3A_261 : i32 to vector<16xi32>
        %min3A_265 = arith.minsi %min3A_264, %max3A_263 : vector<16xi32>
        %gather3A = tpu.vector_load_idx %arg9[%min3A_265] : memref<256xi32, #tpu.memory_space<vmem>>[vector<16xi32>], vector<16xi32>,
        %jit3A_266 = arith.constant 0 : i32
        %jit3A_267 = arith.constant 199 : i32
        %max3A_268 = vector.broadcast %jit3A_266 : i32 to vector<16xi32>
        %max3A_269 = arith.maxsi %max3A_268, %gather3A : vector<16xi32>
        %min3A_270 = vector.broadcast %jit3A_267 : i32 to vector<16xi32>
        %min3A_271 = arith.minsi %min3A_270, %max3A_269 : vector<16xi32>
        %broadcast_in_dim3A_272 = vector.broadcast %scan3A_173 : i32 to vector<16xi32>
        %gather3A_273 = tpu.vector_load_idx %arg6[%broadcast_in_dim3A_272, %min3A_271] : memref<128x200xi32, #tpu.memory_space<vmem>>[vector<16xi32>, vector<16xi32>], vector<16xi32>,
        %lt3A = arith.cmpi slt, %iota3A, %min3A_248 : vector<16xi32>
        %select_n3A_274 = arith.select %lt3A, %get3A_180, %broadcast_in_dim3A_3 : vector<16xi1>, vector<16xf32>
        %masked_sort3A = arith.constant dense<true> : vector<16xi1>
        %masked_sort3A_275, %masked_sort3A_276, %masked_sort3A_277 = tpu.sort %select_n3A_274, %gather3A_273 masked %masked_sort3A : (vector<16xf32>, vector<16xi32>, vector<16xi1>) -> (vector<16xi1>, vector<16xf32>, vector<16xi32>)
        %ge3A = arith.constant 2 : i32
        %ge3A_278 = vector.broadcast %ge3A : i32 to vector<16xi32>
        %ge3A_279 = arith.cmpi sge, %cond3A_220, %ge3A_278 : vector<16xi32>
        %and3A_280 = arith.andi %lt3A, %ge3A_279 : vector<16xi1>
        tpu.vector_store_idx %arg6[%broadcast_in_dim3A_272, %min3A_271], %masked_sort3A_277 masked %and3A_280 : memref<128x200xi32, #tpu.memory_space<vmem>>[vector<16xi32>, vector<16xi32>], vector<16xi32>, vector<16xi1>
      } else {
      }
    }
    %scan3A_133 = arith.constant 128 : i32
    %add3A_134 = arith.constant 256 : i32
    %add3A_135 = arith.addi %mul3A_2, %add3A_134 : i32
    %dma_start3A_136 = arith.constant 0 : i32
    %dma_start3A_137 = tpu.memref_slice %arg5[%add3A_135, %dma_start3A_136] : memref<16384x200xi32, #tpu.memory_space<hbm>> -> memref<128x200xi32, #tpu.memory_space<hbm>>
    %dma_start3A_138 = arith.constant 0 : i32
    %dma_start3A_139 = tpu.memref_slice %arg5[%add3A_135, %dma_start3A_138] : memref<16384x200xi32, #tpu.memory_space<hbm>> -> memref<128x200xi32, #tpu.memory_space<hbm>>
    tpu.enqueue_dma source(%arg6 : memref<128x200xi32, #tpu.memory_space<vmem>>) target(%dma_start3A_139 : memref<128x200xi32, #tpu.memory_space<hbm>>) target_semaphore(%arg15 : memref<!tpu.dma_semaphore, #tpu.memory_space<semaphore_mem>>)
    %dma_wait3A_140 = arith.constant 0 : i32
    %dma_wait3A_141 = tpu.memref_slice %arg2[%add3A_102, %dma_wait3A_140] : memref<16384x200xi32, #tpu.memory_space<hbm>> -> memref<128x200xi32, #tpu.memory_space<hbm>>
    %dma_wait3A_142 = arith.constant 0 : i32
    %dma_wait3A_143 = tpu.memref_slice %arg2[%add3A_102, %dma_wait3A_142] : memref<16384x200xi32, #tpu.memory_space<hbm>> -> memref<128x200xi32, #tpu.memory_space<hbm>>
    tpu.wait_dma2 semaphore(%arg14 : memref<!tpu.dma_semaphore, #tpu.memory_space<semaphore_mem>>) src(%dma_wait3A_143 : memref<128x200xi32, #tpu.memory_space<hbm>>) dst(%arg10 : memref<128x200xi32, #tpu.memory_space<vmem>>)
    %dma_wait3A_144 = arith.constant 0 : i32
    %dma_wait3A_145 = tpu.memref_slice %arg3[%add3A_102, %dma_wait3A_144] : memref<16384x16xf32, #tpu.memory_space<hbm>> -> memref<128x16xf32, #tpu.memory_space<hbm>>
    %dma_wait3A_146 = arith.constant 0 : i32
    %dma_wait3A_147 = tpu.memref_slice %arg3[%add3A_102, %dma_wait3A_146] : memref<16384x16xf32, #tpu.memory_space<hbm>> -> memref<128x16xf32, #tpu.memory_space<hbm>>
    tpu.wait_dma2 semaphore(%arg14 : memref<!tpu.dma_semaphore, #tpu.memory_space<semaphore_mem>>) src(%dma_wait3A_147 : memref<128x16xf32, #tpu.memory_space<hbm>>) dst(%arg11 : memref<128x16xf32, #tpu.memory_space<vmem>>)
    %dma_wait3A_148 = arith.constant 0 : i32
    %dma_wait3A_149 = tpu.memref_slice %arg4[%add3A_102, %dma_wait3A_148] : memref<16384x16xi32, #tpu.memory_space<hbm>> -> memref<128x16xi32, #tpu.memory_space<hbm>>
    %dma_wait3A_150 = arith.constant 0 : i32
    %dma_wait3A_151 = tpu.memref_slice %arg4[%add3A_102, %dma_wait3A_150] : memref<16384x16xi32, #tpu.memory_space<hbm>> -> memref<128x16xi32, #tpu.memory_space<hbm>>
    tpu.wait_dma2 semaphore(%arg14 : memref<!tpu.dma_semaphore, #tpu.memory_space<semaphore_mem>>) src(%dma_wait3A_151 : memref<128x16xi32, #tpu.memory_space<hbm>>) dst(%arg12 : memref<128x16xi32, #tpu.memory_space<vmem>>)
    %broadcast_in_dim3A_152 = arith.constant 1073741824 : i32
    %broadcast_in_dim3A_153 = vector.broadcast %broadcast_in_dim3A_152 : i32 to vector<16xi32>
    %scan3A_154 = arith.constant 0 : i32
    %scan3A_155 = arith.constant 128 : i32
    %scan3A_156 = arith.addi %scan3A_154, %scan3A_155 : i32
    %scan3A_157 = arith.constant 1 : i32
    scf.for %scan3A_173 = %scan3A_154 to %scan3A_156 step %scan3A_157  : i32 {
      %get3A = arith.index_cast %scan3A_173 : i32 to index
      %get3A_174 = arith.constant 0 : index
      %get3A_175 = tpu.vector_load %arg12[%get3A, %get3A_174] {strides = array<i32>} : memref<128x16xi32, #tpu.memory_space<vmem>>, vector<16xi32>,
      %slice3A = vector.extract_strided_slice %get3A_175 {offsets = [0], sizes = [1], strides = [1]} : vector<16xi32> to vector<1xi32>
      %squeeze3A = vector.extract %slice3A[0] : i32 from vector<1xi32>
      %ne3A = arith.constant 0 : i32
      %ne3A_176 = arith.cmpi ne, %squeeze3A, %ne3A : i32
      %convert_element_type3A = arith.extui %ne3A_176 : i1 to i32
      %cond3A = arith.constant 0 : i32
      %cond3A_177 = arith.cmpi ne, %convert_element_type3A, %cond3A : i32
      scf.if %cond3A_177 {
        %get3A_178 = arith.index_cast %scan3A_173 : i32 to index
        %get3A_179 = arith.constant 0 : index
        %get3A_180 = tpu.vector_load %arg11[%get3A_178, %get3A_179] {strides = array<i32>} : memref<128x16xf32, #tpu.memory_space<vmem>>, vector<16xf32>,
        %slice3A_181 = vector.extract_strided_slice %get3A_175 {offsets = [1], sizes = [1], strides = [1]} : vector<16xi32> to vector<1xi32>
        %squeeze3A_182 = vector.extract %slice3A_181[0] : i32 from vector<1xi32>
        %broadcast_in_dim3A_183 = vector.broadcast %squeeze3A_182 : i32 to vector<16xi32>
        %add3A_184 = arith.constant 15 : i32
        %add3A_185 = arith.addi %squeeze3A_182, %add3A_184 : i32
        %jit3A = arith.constant 16 : i32
        %div3A = arith.divsi %add3A_185, %jit3A : i32
        %sign3A = arith.constant 0 : i32
        %sign3A_186 = arith.cmpi sgt, %add3A_185, %sign3A : i32
        %sign3A_187 = arith.extui %sign3A_186 : i1 to i32
        %sign3A_188 = arith.constant 0 : i32
        %sign3A_189 = arith.cmpi slt, %add3A_185, %sign3A_188 : i32
        %sign3A_190 = arith.extui %sign3A_189 : i1 to i32
        %sign3A_191 = arith.subi %sign3A_187, %sign3A_190 : i32
        %sign3A_192 = arith.constant 0 : i32
        %sign3A_193 = arith.cmpi sgt, %jit3A, %sign3A_192 : i32
        %sign3A_194 = arith.extui %sign3A_193 : i1 to i32
        %sign3A_195 = arith.constant 0 : i32
        %sign3A_196 = arith.cmpi slt, %jit3A, %sign3A_195 : i32
        %sign3A_197 = arith.extui %sign3A_196 : i1 to i32
        %sign3A_198 = arith.subi %sign3A_194, %sign3A_197 : i32
        %ne3A_199 = arith.cmpi ne, %sign3A_191, %sign3A_198 : i32
        %rem3A = arith.remsi %add3A_185, %jit3A : i32
        %ne3A_200 = arith.constant 0 : i32
        %ne3A_201 = arith.cmpi ne, %rem3A, %ne3A_200 : i32
        %and3A = arith.andi %ne3A_199, %ne3A_201 : i1
        %sub3A = arith.constant 1 : i32
        %sub3A_202 = arith.subi %div3A, %sub3A : i32
        %select_n3A = arith.select %and3A, %sub3A_202, %div3A : i32
        %min3A = arith.constant 12 : i32
        %min3A_203 = arith.minsi %select_n3A, %min3A : i32
        %broadcast_in_dim3A_204 = arith.constant 0 : i32
        %broadcast_in_dim3A_205 = vector.broadcast %broadcast_in_dim3A_204 : i32 to vector<16xi32>
        %while3A = arith.constant 0 : i32
        %while3A_206 = arith.subi %min3A_203, %while3A : i32
        %while3A_207 = arith.addi %while3A, %while3A_206 : i32
        %while3A_208 = arith.constant 1 : i32
        %while3A_209 = arith.divsi %while3A_206, %while3A_208 : i32
        %while3A_210 = arith.muli %while3A_209, %while3A_208 : i32
        %while3A_211 = arith.addi %while3A, %while3A_210 : i32
        %while3A_212 = arith.constant 1 : i32
        %while3A_213 = scf.for %while3A_281 = %while3A to %while3A_211 step %while3A_212 iter_args(%while3A_282 = %broadcast_in_dim3A_205) -> (vector<16xi32>)  : i32 {
          %mul3A_283 = arith.constant 16 : i32
          %mul3A_284 = arith.muli %while3A_281, %mul3A_283 : i32
          %add3A_285 = vector.broadcast %mul3A_284 : i32 to vector<16xi32>
          %add3A_286 = arith.addi %iota3A, %add3A_285 : vector<16xi32>
          %get3A_287 = arith.index_cast %scan3A_173 : i32 to index
          %get3A_288 = arith.index_cast %mul3A_284 : i32 to index
          %get3A_289 = tpu.vector_load %arg10[%get3A_287, %get3A_288] {strides = array<i32>} : memref<128x200xi32, #tpu.memory_space<vmem>>, vector<16xi32>,
          %ne3A_290 = arith.constant 0 : i32
          %ne3A_291 = vector.broadcast %ne3A_290 : i32 to vector<16xi32>
          %ne3A_292 = arith.cmpi ne, %get3A_289, %ne3A_291 : vector<16xi32>
          %lt3A_293 = arith.cmpi slt, %add3A_286, %broadcast_in_dim3A_183 : vector<16xi32>
          %and3A_294 = arith.andi %ne3A_292, %lt3A_293 : vector<16xi1>
          %select_n3A_295 = arith.select %and3A_294, %add3A_286, %broadcast_in_dim3A_153 : vector<16xi1>, vector<16xi32>
          %masked_sort3A_296 = arith.constant dense<true> : vector<16xi1>
          %masked_sort3A_297 = arith.constant -2147483648 : i32
          %masked_sort3A_298 = vector.broadcast %masked_sort3A_297 : i32 to vector<16xi32>
          %masked_sort3A_299 = arith.xori %select_n3A_295, %masked_sort3A_298 : vector<16xi32>
          %masked_sort3A_300, %masked_sort3A_301, %masked_sort3A_302 = tpu.sort %masked_sort3A_299, %add3A_286 masked %masked_sort3A_296 : (vector<16xi32>, vector<16xi32>, vector<16xi1>) -> (vector<16xi1>, vector<16xi32>, vector<16xi32>)
          %masked_sort3A_303 = arith.xori %masked_sort3A_301, %masked_sort3A_298 : vector<16xi32>
          %all_reduce_population_count3A = tpu.all_reduce %and3A_294 {dim = 0 : i64, kind = #tpu.reduction_kind<sum>} : vector<16xi1> -> vector<16xi32>
          %add3A_304 = arith.addi %while3A_282, %iota3A : vector<16xi32>
          %lt3A_305 = arith.cmpi slt, %iota3A, %all_reduce_population_count3A : vector<16xi32>
          tpu.vector_store_idx %arg9[%add3A_304], %masked_sort3A_303 masked %lt3A_305 : memref<256xi32, #tpu.memory_space<vmem>>[vector<16xi32>], vector<16xi32>, vector<16xi1>
          %add3A_306 = arith.addi %while3A_282, %all_reduce_population_count3A : vector<16xi32>
          scf.yield %add3A_306 : vector<16xi32>
        }
        %while3A_214 = arith.constant 1 : i32
        %while3A_215 = scf.for %while3A_281 = %while3A_211 to %while3A_207 step %while3A_214 iter_args(%while3A_282 = %while3A_213) -> (vector<16xi32>)  : i32 {
          %mul3A_283 = arith.constant 16 : i32
          %mul3A_284 = arith.muli %while3A_281, %mul3A_283 : i32
          %add3A_285 = vector.broadcast %mul3A_284 : i32 to vector<16xi32>
          %add3A_286 = arith.addi %iota3A, %add3A_285 : vector<16xi32>
          %get3A_287 = arith.index_cast %scan3A_173 : i32 to index
          %get3A_288 = arith.index_cast %mul3A_284 : i32 to index
          %get3A_289 = tpu.vector_load %arg10[%get3A_287, %get3A_288] {strides = array<i32>} : memref<128x200xi32, #tpu.memory_space<vmem>>, vector<16xi32>,
          %ne3A_290 = arith.constant 0 : i32
          %ne3A_291 = vector.broadcast %ne3A_290 : i32 to vector<16xi32>
          %ne3A_292 = arith.cmpi ne, %get3A_289, %ne3A_291 : vector<16xi32>
          %lt3A_293 = arith.cmpi slt, %add3A_286, %broadcast_in_dim3A_183 : vector<16xi32>
          %and3A_294 = arith.andi %ne3A_292, %lt3A_293 : vector<16xi1>
          %select_n3A_295 = arith.select %and3A_294, %add3A_286, %broadcast_in_dim3A_153 : vector<16xi1>, vector<16xi32>
          %masked_sort3A_296 = arith.constant dense<true> : vector<16xi1>
          %masked_sort3A_297 = arith.constant -2147483648 : i32
          %masked_sort3A_298 = vector.broadcast %masked_sort3A_297 : i32 to vector<16xi32>
          %masked_sort3A_299 = arith.xori %select_n3A_295, %masked_sort3A_298 : vector<16xi32>
          %masked_sort3A_300, %masked_sort3A_301, %masked_sort3A_302 = tpu.sort %masked_sort3A_299, %add3A_286 masked %masked_sort3A_296 : (vector<16xi32>, vector<16xi32>, vector<16xi1>) -> (vector<16xi1>, vector<16xi32>, vector<16xi32>)
          %masked_sort3A_303 = arith.xori %masked_sort3A_301, %masked_sort3A_298 : vector<16xi32>
          %all_reduce_population_count3A = tpu.all_reduce %and3A_294 {dim = 0 : i64, kind = #tpu.reduction_kind<sum>} : vector<16xi1> -> vector<16xi32>
          %add3A_304 = arith.addi %while3A_282, %iota3A : vector<16xi32>
          %lt3A_305 = arith.cmpi slt, %iota3A, %all_reduce_population_count3A : vector<16xi32>
          tpu.vector_store_idx %arg9[%add3A_304], %masked_sort3A_303 masked %lt3A_305 : memref<256xi32, #tpu.memory_space<vmem>>[vector<16xi32>], vector<16xi32>, vector<16xi1>
          %add3A_306 = arith.addi %while3A_282, %all_reduce_population_count3A : vector<16xi32>
          scf.yield %add3A_306 : vector<16xi32>
        }
        %gt3A = arith.constant 192 : i32
        %gt3A_216 = arith.cmpi sgt, %squeeze3A_182, %gt3A : i32
        %convert_element_type3A_217 = arith.extui %gt3A_216 : i1 to i32
        %cond3A_218 = arith.constant 0 : i32
        %cond3A_219 = arith.cmpi ne, %convert_element_type3A_217, %cond3A_218 : i32
        %cond3A_220 = scf.if %cond3A_219 -> (vector<16xi32>) {
          %add3A_281 = arith.constant 184 : i32
          %add3A_282 = vector.broadcast %add3A_281 : i32 to vector<16xi32>
          %add3A_283 = arith.addi %iota3A, %add3A_282 : vector<16xi32>
          %get3A_284 = arith.index_cast %scan3A_173 : i32 to index
          %get3A_285 = arith.constant 184 : index
          %get3A_286 = tpu.vector_load %arg10[%get3A_284, %get3A_285] {strides = array<i32>} : memref<128x200xi32, #tpu.memory_space<vmem>>, vector<16xi32>,
          %ne3A_287 = arith.constant 0 : i32
          %ne3A_288 = vector.broadcast %ne3A_287 : i32 to vector<16xi32>
          %ne3A_289 = arith.cmpi ne, %get3A_286, %ne3A_288 : vector<16xi32>
          %lt3A_290 = arith.cmpi slt, %add3A_283, %broadcast_in_dim3A_183 : vector<16xi32>
          %and3A_291 = arith.andi %ne3A_289, %lt3A_290 : vector<16xi1>
          %ge3A_292 = arith.constant 192 : i32
          %ge3A_293 = vector.broadcast %ge3A_292 : i32 to vector<16xi32>
          %ge3A_294 = arith.cmpi sge, %add3A_283, %ge3A_293 : vector<16xi32>
          %and3A_295 = arith.andi %and3A_291, %ge3A_294 : vector<16xi1>
          %select_n3A_296 = arith.select %and3A_295, %add3A_283, %broadcast_in_dim3A_153 : vector<16xi1>, vector<16xi32>
          %masked_sort3A_297 = arith.constant dense<true> : vector<16xi1>
          %masked_sort3A_298 = arith.constant -2147483648 : i32
          %masked_sort3A_299 = vector.broadcast %masked_sort3A_298 : i32 to vector<16xi32>
          %masked_sort3A_300 = arith.xori %select_n3A_296, %masked_sort3A_299 : vector<16xi32>
          %masked_sort3A_301, %masked_sort3A_302, %masked_sort3A_303 = tpu.sort %masked_sort3A_300, %add3A_283 masked %masked_sort3A_297 : (vector<16xi32>, vector<16xi32>, vector<16xi1>) -> (vector<16xi1>, vector<16xi32>, vector<16xi32>)
          %masked_sort3A_304 = arith.xori %masked_sort3A_302, %masked_sort3A_299 : vector<16xi32>
          %all_reduce_population_count3A = tpu.all_reduce %and3A_295 {dim = 0 : i64, kind = #tpu.reduction_kind<sum>} : vector<16xi1> -> vector<16xi32>
          %add3A_305 = arith.addi %while3A_215, %iota3A : vector<16xi32>
          %lt3A_306 = arith.cmpi slt, %iota3A, %all_reduce_population_count3A : vector<16xi32>
          tpu.vector_store_idx %arg9[%add3A_305], %masked_sort3A_304 masked %lt3A_306 : memref<256xi32, #tpu.memory_space<vmem>>[vector<16xi32>], vector<16xi32>, vector<16xi1>
          %add3A_307 = arith.addi %while3A_215, %all_reduce_population_count3A : vector<16xi32>
          scf.yield %add3A_307 : vector<16xi32>
        } else {
          scf.yield %while3A_215 : vector<16xi32>
        }
        %convert_element_type3A_221 = arith.sitofp %cond3A_220 : vector<16xi32> to vector<16xf32>
        %slice3A_222 = vector.extract_strided_slice %get3A_180 {offsets = [5], sizes = [1], strides = [1]} : vector<16xf32> to vector<1xf32>
        %squeeze3A_223 = vector.extract %slice3A_222[0] : f32 from vector<1xf32>
        %broadcast_in_dim3A_224 = vector.broadcast %squeeze3A_223 : f32 to vector<16xf32>
        %slice3A_225 = vector.extract_strided_slice %get3A_180 {offsets = [6], sizes = [1], strides = [1]} : vector<16xf32> to vector<1xf32>
        %squeeze3A_226 = vector.extract %slice3A_225[0] : f32 from vector<1xf32>
        %broadcast_in_dim3A_227 = vector.broadcast %squeeze3A_226 : f32 to vector<16xf32>
        %min3A_228 = arith.constant 5.000000e+00 : f32
        %min3A_229 = vector.broadcast %min3A_228 : f32 to vector<16xf32>
        %min3A_230 = arith.minimumf %convert_element_type3A_221, %min3A_229 : vector<16xf32>
        %sub3A_231 = arith.constant 1.000000e+00 : f32
        %sub3A_232 = vector.broadcast %sub3A_231 : f32 to vector<16xf32>
        %sub3A_233 = arith.subf %min3A_230, %sub3A_232 : vector<16xf32>
        %max3A = arith.constant 1.000000e+00 : f32
        %max3A_234 = vector.broadcast %max3A : f32 to vector<16xf32>
        %max3A_235 = arith.maximumf %sub3A_233, %max3A_234 : vector<16xf32>
        %mul3A_236 = arith.mulf %broadcast_in_dim3A_224, %max3A_235 : vector<16xf32>
        %convert_element_type3A_237 = arith.fptosi %mul3A_236 : vector<16xf32> to vector<16xi32>
        %add3A_238 = arith.constant 2 : i32
        %add3A_239 = vector.broadcast %add3A_238 : i32 to vector<16xi32>
        %add3A_240 = arith.addi %add3A_239, %convert_element_type3A_237 : vector<16xi32>
        %convert_element_type3A_241 = arith.fptosi %min3A_230 : vector<16xf32> to vector<16xi32>
        %max3A_242 = arith.constant 2 : i32
        %max3A_243 = vector.broadcast %max3A_242 : i32 to vector<16xi32>
        %max3A_244 = arith.maxsi %convert_element_type3A_241, %max3A_243 : vector<16xi32>
        %jit3A_245 = arith.constant 2 : i32
        %max3A_246 = vector.broadcast %jit3A_245 : i32 to vector<16xi32>
        %max3A_247 = arith.maxsi %max3A_246, %add3A_240 : vector<16xi32>
        %min3A_248 = arith.minsi %max3A_244, %max3A_247 : vector<16xi32>
        %convert_element_type3A_249 = arith.sitofp %min3A_248 : vector<16xi32> to vector<16xf32>
        %sub3A_250 = arith.subf %convert_element_type3A_221, %convert_element_type3A_249 : vector<16xf32>
        %add3A_251 = arith.constant 1.000000e+00 : f32
        %add3A_252 = vector.broadcast %add3A_251 : f32 to vector<16xf32>
        %add3A_253 = arith.addf %sub3A_250, %add3A_252 : vector<16xf32>
        %max3A_254 = arith.constant 1.000000e+00 : f32
        %max3A_255 = vector.broadcast %max3A_254 : f32 to vector<16xf32>
        %max3A_256 = arith.maximumf %add3A_253, %max3A_255 : vector<16xf32>
        %mul3A_257 = arith.mulf %broadcast_in_dim3A_227, %max3A_256 : vector<16xf32>
        %convert_element_type3A_258 = arith.fptosi %mul3A_257 : vector<16xf32> to vector<16xi32>
        %add3A_259 = arith.addi %convert_element_type3A_258, %iota3A : vector<16xi32>
        %jit3A_260 = arith.constant 0 : i32
        %jit3A_261 = arith.constant 199 : i32
        %max3A_262 = vector.broadcast %jit3A_260 : i32 to vector<16xi32>
        %max3A_263 = arith.maxsi %max3A_262, %add3A_259 : vector<16xi32>
        %min3A_264 = vector.broadcast %jit3A_261 : i32 to vector<16xi32>
        %min3A_265 = arith.minsi %min3A_264, %max3A_263 : vector<16xi32>
        %gather3A = tpu.vector_load_idx %arg9[%min3A_265] : memref<256xi32, #tpu.memory_space<vmem>>[vector<16xi32>], vector<16xi32>,
        %jit3A_266 = arith.constant 0 : i32
        %jit3A_267 = arith.constant 199 : i32
        %max3A_268 = vector.broadcast %jit3A_266 : i32 to vector<16xi32>
        %max3A_269 = arith.maxsi %max3A_268, %gather3A : vector<16xi32>
        %min3A_270 = vector.broadcast %jit3A_267 : i32 to vector<16xi32>
        %min3A_271 = arith.minsi %min3A_270, %max3A_269 : vector<16xi32>
        %broadcast_in_dim3A_272 = vector.broadcast %scan3A_173 : i32 to vector<16xi32>
        %gather3A_273 = tpu.vector_load_idx %arg10[%broadcast_in_dim3A_272, %min3A_271] : memref<128x200xi32, #tpu.memory_space<vmem>>[vector<16xi32>, vector<16xi32>], vector<16xi32>,
        %lt3A = arith.cmpi slt, %iota3A, %min3A_248 : vector<16xi32>
        %select_n3A_274 = arith.select %lt3A, %get3A_180, %broadcast_in_dim3A_3 : vector<16xi1>, vector<16xf32>
        %masked_sort3A = arith.constant dense<true> : vector<16xi1>
        %masked_sort3A_275, %masked_sort3A_276, %masked_sort3A_277 = tpu.sort %select_n3A_274, %gather3A_273 masked %masked_sort3A : (vector<16xf32>, vector<16xi32>, vector<16xi1>) -> (vector<16xi1>, vector<16xf32>, vector<16xi32>)
        %ge3A = arith.constant 2 : i32
        %ge3A_278 = vector.broadcast %ge3A : i32 to vector<16xi32>
        %ge3A_279 = arith.cmpi sge, %cond3A_220, %ge3A_278 : vector<16xi32>
        %and3A_280 = arith.andi %lt3A, %ge3A_279 : vector<16xi1>
        tpu.vector_store_idx %arg10[%broadcast_in_dim3A_272, %min3A_271], %masked_sort3A_277 masked %and3A_280 : memref<128x200xi32, #tpu.memory_space<vmem>>[vector<16xi32>, vector<16xi32>], vector<16xi32>, vector<16xi1>
      } else {
      }
    }
    %scan3A_158 = arith.constant 128 : i32
    %add3A_159 = arith.constant 384 : i32
    %add3A_160 = arith.addi %mul3A_2, %add3A_159 : i32
    %dma_start3A_161 = arith.constant 0 : i32
    %dma_start3A_162 = tpu.memref_slice %arg5[%add3A_160, %dma_start3A_161] : memref<16384x200xi32, #tpu.memory_space<hbm>> -> memref<128x200xi32, #tpu.memory_space<hbm>>
    %dma_start3A_163 = arith.constant 0 : i32
    %dma_start3A_164 = tpu.memref_slice %arg5[%add3A_160, %dma_start3A_163] : memref<16384x200xi32, #tpu.memory_space<hbm>> -> memref<128x200xi32, #tpu.memory_space<hbm>>
    tpu.enqueue_dma source(%arg10 : memref<128x200xi32, #tpu.memory_space<vmem>>) target(%dma_start3A_164 : memref<128x200xi32, #tpu.memory_space<hbm>>) target_semaphore(%arg16 : memref<!tpu.dma_semaphore, #tpu.memory_space<semaphore_mem>>)
    %dma_wait3A_165 = arith.constant 0 : i32
    %dma_wait3A_166 = tpu.memref_slice %arg5[%add3A_135, %dma_wait3A_165] : memref<16384x200xi32, #tpu.memory_space<hbm>> -> memref<128x200xi32, #tpu.memory_space<hbm>>
    %dma_wait3A_167 = arith.constant 0 : i32
    %dma_wait3A_168 = tpu.memref_slice %arg5[%add3A_135, %dma_wait3A_167] : memref<16384x200xi32, #tpu.memory_space<hbm>> -> memref<128x200xi32, #tpu.memory_space<hbm>>
    tpu.wait_dma2 semaphore(%arg15 : memref<!tpu.dma_semaphore, #tpu.memory_space<semaphore_mem>>) src(%arg6 : memref<128x200xi32, #tpu.memory_space<vmem>>) dst(%dma_wait3A_168 : memref<128x200xi32, #tpu.memory_space<hbm>>)
    %dma_wait3A_169 = arith.constant 0 : i32
    %dma_wait3A_170 = tpu.memref_slice %arg5[%add3A_160, %dma_wait3A_169] : memref<16384x200xi32, #tpu.memory_space<hbm>> -> memref<128x200xi32, #tpu.memory_space<hbm>>
    %dma_wait3A_171 = arith.constant 0 : i32
    %dma_wait3A_172 = tpu.memref_slice %arg5[%add3A_160, %dma_wait3A_171] : memref<16384x200xi32, #tpu.memory_space<hbm>> -> memref<128x200xi32, #tpu.memory_space<hbm>>
    tpu.wait_dma2 semaphore(%arg16 : memref<!tpu.dma_semaphore, #tpu.memory_space<semaphore_mem>>) src(%arg10 : memref<128x200xi32, #tpu.memory_space<vmem>>) dst(%dma_wait3A_172 : memref<128x200xi32, #tpu.memory_space<hbm>>)
    return
  }
}

</mosaic_0001>

<sc_bundles>
// kernel: kernel.3.cloned.1.call-start
scs
__scs_entry_jumppad:
0x0: {  	(pc) =	sbr.rel $0x88, $3  }
0x1: {  	(tag) =	ssettag $0x0;
	lr =	simm.s32 $0x1  }
0x2: {  	[smem:$0x3F9F] =	sst lr;
	_ =	strace $0xD0000000  }
0x3: {  	_ = 	snop  }
0x4: {  	_ = 	snop  }
0x5: {  	_ = 	snop  }
0x6: {  	_ = 	snop  }
0x7: {  	_ = 	snop  }
__scs_overlays_trampoline_lowered:
0x8: {  	[smem:$0x3FAE] =	sst s0  }
0x9: {  	[smem:$0x3FAF] =	sst s1  }
0xa: {  	[smem:$0x3FB0] =	sst s2  }
0xb: {  	[smem:$0x3FB1] =	sst s3  }
0xc: {  	[smem:$0x3FB2] =	sst s4  }
0xd: {  	[smem:$0x3FB3] =	sst s5  }
0xe: {  	[smem:$0x3FB4] =	sst s6  }
0xf: {  	[smem:$0x3FB5] =	sst s7  }
0x10: {  	[smem:$0x3FB6] =	sst s8  }
0x11: {  	[smem:$0x3FB7] =	sst s9;
	s0 =	simm.s32 @!p0 $0x0  }
0x12: {  	s1 =	sld [smem:$0x3F9D];
	s0 =	simm.s32 @p0 $0x1  }
0x13: {  	[smem:$0x3FB8] =	sst s0;
	s0 =	simm.s32 @!p1 $0x0  }
0x14: {  	s2 =	sld [smem:$0x3F9C];
	s0 =	simm.s32 @p1 $0x1  }
0x15: {  	[smem:$0x3FB9] =	sst s0;
	s0 =	simm.s32 @!p2 $0x0  }
0x16: {  	s3 =	sld [smem:$0x3FDB];
	s0 =	simm.s32 @p2 $0x1  }
0x17: {  	s4 =	simm.s32 $0x1BF5;
	[smem:$0x3FBB] =	sst s0  }
0x18: {  	s0 =	sld [smem:$0x3F9E];
	_ =	swait.ge [sflag:s4], $0x0  }
0x19: {  	s7 =	sld [smem:$0x3F9F]  }
0x1a: {  	s8 =	sadd.s32 $0xFFFFE003, lr  }
0x1b: {  	s9 =	sadd.s32 $0xFFFFFEF7, lr;
	s5 =	simm.s32 $0xFFFFFFFF;
	p2 =	slt.u32 s8, $0xFFFFF086  }
0x1c: {  	p1 =	slt.u32 s9, $0xF7A;
	s5 =	simm.s32 @!p2 $0x0  }
0x1d: {  	s5 =	simm.s32 @p1 $0x1;
	p0 =	seq.s32 s7, s2  }
0x1e: {  	s7 =	smul.u32 @!p0 $0xF7A, s2;
	p2 =	seq.s32 @!p0 s5, $0x0  }
0x1f: {  	s9 =	smul.u32 $0xF7A, s1;
	s8 =	simm.s32 @!p0 $0x1BF5;
	p2 =	por !p2, p0  }
0x20: {  	[sflag:s8] =	ssyncset.s32 @!p0 $0xFFFFF086;
	s6 =	sadd.s32 @!p0 s3, s7;
	s7 =	simm.s32 @!p0 $0x108  }
0x21: {  	s3 =	sadd.s32 s3, s9;
	s6 =	sadd.s32 @!p0 $0x88, s6;
	s7 =	simm.s32 @p2 $0x1082  }
0x22: {  	[simem:s7], [sflag:s8] =	dma.local @!p0 [hbm:s6], $0xF7A  }
0x23: {  	s9 =	sor.u32 $0xD0000000, s2;
	s6 =	simm.s32 $0x108;
	_ =	swait.ge @!p0 [sflag:s8], $0x0  }
0x24: {  	s3 =	sadd.s32 $0x88, s3;
	s6 =	simm.s32 @!p1 $0x1082;
	[sflag:s4] =	ssyncset.s32 $0xFFFFF086  }
0x25: {  	[simem:s6], [sflag:s4] =	dma.local [hbm:s3], $0xF7A  }
0x26: {  	[smem:$0x3F9F] =	sst s1;
	(tag) =	ssettag s2;
	_ =	strace s9  }
0x27: {  	s1 =	sld [smem:$0x3FAF]  }
0x28: {  	s2 =	sld [smem:$0x3FB0]  }
0x29: {  	s4 =	sld [smem:$0x3FB2]  }
0x2a: {  	p0 =	seq.s32 s5, $0x0;
	s5 =	sld [smem:$0x3FB3]  }
0x2b: {  	s6 =	sld [smem:$0x3FB4]  }
0x2c: {  	s7 =	sld [smem:$0x3FB5]  }
0x2d: {  	s3 =	simm.s32 $0x108;
	s8 =	sld [smem:$0x3FB6]  }
0x2e: {  	s3 =	simm.s32 @!p0 $0x1082;
	s9 =	sld [smem:$0x3FB7]  }
0x2f: {  	lr =	sadd.s32 s0, s3;
	s0 =	sld [smem:$0x3FAE]  }
0x30: {  	s3 =	sld [smem:$0x3FB1]  }
0x31: {  	[smem:$0x3FBA] =	sst s10  }
0x32: {  	s10 =	sld [smem:$0x3FB8];
	_ =	sdelay $0x3  }
0x33: {  	p0 =	seq.s32 s10, $0x1;
	s10 =	sld [smem:$0x3FBA];
	_ =	sdelay $0x3  }
0x34: {  	[smem:$0x3FBA] =	sst s10  }
0x35: {  	s10 =	sld [smem:$0x3FB9];
	_ =	sdelay $0x3  }
0x36: {  	p1 =	seq.s32 s10, $0x1;
	s10 =	sld [smem:$0x3FBA];
	_ =	sdelay $0x3  }
0x37: {  	[smem:$0x3FBA] =	sst s10  }
0x38: {  	s10 =	sld [smem:$0x3FBB]  }
0x39: {  	_ = 	snop;
	(pc) =	sbr.ind lr, $3  }
0x3a: {  	_ = 	snop  }
0x3b: {  	_ = 	snop  }
0x3c: {  	p2 =	seq.s32 s10, $0x1;
	s10 =	sld [smem:$0x3FBA]  }
0x3d: {  	_ =	shalt  }
0x3e: {  	_ =	shalt  }
0x3f: {  	_ =	shalt  }
0x40: {  	_ =	shalt  }
0x41: {  	_ =	shalt  }
0x42: {  	_ =	shalt  }
0x43: {  	_ =	shalt  }
0x44: {  	_ =	shalt  }
0x45: {  	_ =	shalt  }
0x46: {  	_ =	shalt  }
0x47: {  	_ =	shalt  }
0x48: {  	_ =	shalt  }
0x49: {  	_ =	shalt  }
0x4a: {  	_ =	shalt  }
0x4b: {  	_ =	shalt  }
0x4c: {  	_ =	shalt  }
0x4d: {  	_ =	shalt  }
0x4e: {  	_ =	shalt  }
0x4f: {  	_ =	shalt  }
0x50: {  	_ =	shalt  }
0x51: {  	_ =	shalt  }
0x52: {  	_ =	shalt  }
0x53: {  	_ =	shalt  }
0x54: {  	_ =	shalt  }
0x55: {  	_ =	shalt  }
0x56: {  	_ =	shalt  }
0x57: {  	_ =	shalt  }
0x58: {  	_ =	shalt  }
0x59: {  	_ =	shalt  }
0x5a: {  	_ =	shalt  }
0x5b: {  	_ =	shalt  }
0x5c: {  	_ =	shalt  }
0x5d: {  	_ =	shalt  }
0x5e: {  	_ =	shalt  }
0x5f: {  	_ =	shalt  }
0x60: {  	_ =	shalt  }
0x61: {  	_ =	shalt  }
0x62: {  	_ =	shalt  }
0x63: {  	_ =	shalt  }
0x64: {  	_ =	shalt  }
0x65: {  	_ =	shalt  }
0x66: {  	_ =	shalt  }
0x67: {  	_ =	shalt  }
0x68: {  	_ =	shalt  }
0x69: {  	_ =	shalt  }
0x6a: {  	_ =	shalt  }
0x6b: {  	_ =	shalt  }
0x6c: {  	_ =	shalt  }
0x6d: {  	_ =	shalt  }
0x6e: {  	_ =	shalt  }
0x6f: {  	_ =	shalt  }
0x70: {  	_ =	shalt  }
0x71: {  	_ =	shalt  }
0x72: {  	_ =	shalt  }
0x73: {  	_ =	shalt  }
0x74: {  	_ =	shalt  }
0x75: {  	_ =	shalt  }
0x76: {  	_ =	shalt  }
0x77: {  	_ =	shalt  }
0x78: {  	_ =	shalt  }
0x79: {  	_ =	shalt  }
0x7a: {  	_ =	shalt  }
0x7b: {  	_ =	shalt  }
0x7c: {  	_ =	shalt  }
0x7d: {  	_ =	shalt  }
0x7e: {  	_ =	shalt  }
0x7f: {  	_ =	shalt  }
0x80: {  	_ =	shalt  }
0x81: {  	_ =	shalt  }
0x82: {  	_ =	shalt  }
0x83: {  	_ =	shalt  }
0x84: {  	_ =	shalt  }
0x85: {  	_ =	shalt  }
0x86: {  	_ =	shalt  }
0x87: {  	_ =	shalt  }
.Lfunc_end0:
.L_simem_size_0:
called_computation_lowered:
.L_overlay_start_0:
0x88: {  	s2 =	sld [smem:$0x3FD9]  }
0x89: {  	s3 =	sld [smem:$0x3FFE];
	_ =	sdelay $0x1  }
0x8a: {  	s1 =	srdreg.scid  }
0x8b: {  	s0 =	sand.u32 $0x1, s1  }
0x8c: {  	s14 =	sshll.u32 s0, $0xA;
	s2 =	sadd.s32 s3, s2  }
0x8d: {  	s2 =	sadd.s32 s2, s14  }
0x8e: {  	[smem:$0x3FC6] =	sst s2  }
0x8f: {  	_ = 	snop  }
0x90: {  	s2 =	sld [smem:$0x3FD0];
	_ =	sdelay $0x2  }
0x91: {  	s15 =	simm.s32 $0xA;
	s4 =	simm.s32 $0x10  }
0x92: {  	[smem:s4], [sflag:s15] =	dma.local [hbm:s2], $0x1  }
0x93: {  	_ =	swait.eq [sflag:s15], $0x1  }
0x94: {  	[sflag:s15] =	ssyncset.done $0x0  }
0x95: {  	[sflag:s15] =	ssyncadd.s32 $0xFFFFFFFF  }
0x96: {  	s16 =	sld [smem:$0x10];
	(tm) =	ssettm $0x1  }
0x97: {  	s17 =	sld [smem:$0x3FFB];
	_ =	sdelay $0x3  }
0x98: {  	_ =	strace s17  }
0x99: {  	s3 =	sld [smem:$0x3FFC];
	_ =	sdelay $0x3  }
0x9a: {  	_ =	strace s3  }
0x9b: {  	s3 =	sld [smem:$0x3FFD];
	_ =	sdelay $0x3  }
0x9c: {  	_ =	strace s3  }
0x9d: {  	_ =	strace $0x8FFFFFFF  }
0x9e: {  	s18 =	sld [smem:$0x3FDB];
	_ =	sdelay $0x1  }
0x9f: {  	s19 =	simm.s32 $_scs_section_size  }
0xa0: {  	s5 =	simm.s32 $_size__tile_overlayer_lowered;
	s6 =	simm.s32 $_tile_overlayer_lowered  }
0xa1: {  	s22 =	simm.s32 $0x1BFF;
	s21 =	sshll.u32 s6, $0x1;
	s3 =	sadd.s32 s19, s18  }
0xa2: {  	s7 =	simm.s32 $0x0;
	s20 =	sshll.u32 s5, $0x1;
	s5 =	sadd.s32 s21, s3  }
0xa3: {  	[timem:s7], [sflag:s22] =	dma.local [hbm:s5], s20  }
0xa4: {  	_ =	swait.ge [sflag:s22], s20  }
0xa5: {  	s4 =	ssub.s32 $0x0, s20;
	[sflag:s22] =	ssyncset.done $0x0  }
0xa6: {  	[sflag:s22] =	ssyncadd.s32 s4;
	_ =	sdelay $0x1  }
0xa7: {  	s23 =	simm.s32 $0x1B8B  }
0xa8: {  	_ =	swait.ge [sflag:s23], $0x1  }
0xa9: {  	[sflag:s23] =	ssyncset.done $0x0  }
0xaa: {  	s25 =	simm.s32 $0x1B8E;
	s24 =	sld [smem:$0x3FFE];
	[sflag:s23] =	ssyncadd.s32 $0xFFFFFFFF  }
0xab: {  	s26 =	simm.s32 $execute0_lowered;
	[smem:$0x3FD2] =	sst s25  }
0xac: {  	s5 =	sshll.u32 s26, $0x1;
	_ =	strace $0x80000046;
	[dreg:$0x1] =	wrdreg $0xFFFFFFFF  }
0xad: {  	s28 =	simm.s32 $_size_execute0_lowered;
	s3 =	sadd.s32 s3, s5;
	[dreg:$0x0] =	wrdreg $0x0  }
0xae: {  	s5 =	sshll.u32 s28, $0x1;
	[dreg:$0x2] =	wrdreg s3  }
0xaf: {  	[dreg:$0x3] =	wrdreg s5  }
0xb0: {  	[dreg:$0x4] =	wrdreg $0xC0  }
0xb1: {  	_ =	task [dreg:s7], $0x5FFFF  }
0xb2: {  	[dreg:$0x1] =	wrdreg $0xFFFFFFFF  }
0xb3: {  	[dreg:$0x0] =	wrdreg $0x60  }
0xb4: {  	[dreg:$0x2] =	wrdreg s16  }
0xb5: {  	[dreg:$0x3] =	wrdreg s24  }
0xb6: {  	[dreg:$0x4] =	wrdreg $0x9  }
0xb7: {  	_ =	task.clear_ibuf [dreg:s7], $0x5FFFF;
	_ =	strace $0x90000046  }
0xb8: {  	s29 =	simm.s32 $0x9;
	_ =	strace $0x80000048  }
0xb9: {  	_ =	swait.ge [sflag:s29], $0x1  }
0xba: {  	[sflag:s29] =	ssyncadd.s32 $0xFFFFFFFF  }
0xbb: {  	_ =	strace $0x90000048  }
0xbc: {  	_ =	sfence  }
0xbd: {  	s30 =	sld [smem:$0x0];
	_ =	sdelay $0x2  }
0xbe: {  	s31 =	sshll.u32 s1, $0xD;
	s1 =	sshrl.u32 s1, $0x2  }
0xbf: {  	s3 =	sand.u32 $0x4000, s31;
	s1 =	sadd.s32 s1, s30  }
0xc0: {  	s0 =	sor.u32 s3, s0;
	s1 =	sshll.u32 s1, $0x11  }
0xc1: {  	s0 =	sor.u32 s1, s0  }
0xc2: {  	s0 =	sadd.s32 $0x8F2B, s0  }
0xc3: {  	[sflag:s0] =	ssyncadd.remote.s32 $0x1  }
0xc4: {  	_ =	sfence.sel $0xFFFF  }
0xc5: {  	[dreg:$0x0] =	wrdreg $0xFFFFFFFF;
	(pc) =	sbr.abs _section_cstart, $3  }
0xc6: {  	[dreg:$0x1] =	wrdreg $0xFFFFFFFF  }
0xc7: {  	_ =	task.clear_ibuf [dreg:s7], $0x2FFFF;
	_ =	strace $0x9FFFFFFF  }
0xc8: {  	(tm) =	ssettm $0x7FFFFFFF  }
0xc9: {  	_ =	shalt  }
tec
execute0_lowered:
.L_overlay_start_1:
0x0: {  	(tag) =	ssettag $0x1  }
0x1: {  	s0 =	rddreg [dreg:$0x0]  }
0x2: {  	s1 =	rddreg [dreg:$0x1]  }
0x3: {  	s2 =	simm.s32 $0x0;
	s3 =	srdreg.scid;
	s5 =	stileid.u32  }
0x4: {  	s28 =	simm.s32 $0x2;
	s29 =	simm.s32 $0x4;
	s30 =	simm.s32 $0x7400  }
0x5: {  	s31 =	simm.s32 $0x0;
	[smem:$0x7FF] =	sst s2;
	s3 =	sand.u32 $0x1, s3  }
0x6: {  	s4 =	sadd.s32 $0x1400, s1;
	s5 =	sshll.u32 s5, $0xA;
	s7 =	sadd.s32 $0x9400, s1  }
0x7: {  	s1 =	sadd.s32 $0x11400, s1;
	s6 =	sshll.u32 s3, $0x9;
	s3 =	ssub.s32 $0x2, s3  }
0x8: {  	_ =	strace $0x80000047;
	s5 =	sor.u32 s6, s5;
	s20 =	sshrl.u32 s3, $0x1  }
0x9: {  	s9 =	smul.u32 $0x19, s5;
	s3 =	ssub.s32 s3, s20;
	s21 =	sshll.u32 s5, $0x1  }
0xa: {  	s8 =	sor.u32 $0x80, s5;
	s11 =	sor.u32 $0x100, s5;
	s5 =	sor.u32 $0x180, s5  }
0xb: {  	s20 =	simm.s32 $0x6400;
	s22 =	sadd.s32 s4, s21;
	s13 =	smul.u32 $0x19, s8  }
0xc: {  	s6 =	sadd.s32 s7, s21;
	s23 =	sshll.u32 s8, $0x1;
	s17 =	smul.u32 $0x19, s11  }
0xd: {  	s26 =	sshll.u32 s11, $0x1;
	s18 =	smul.u32 $0x19, s5;
	s5 =	sshll.u32 s5, $0x1  }
0xe: {  	s19 =	smax.u32 s3, $0x1;
	s21 =	simm.s32 $0x6C00;
	[dreg:$0x4] =	wrdreg s22  }
0xf: {  	s10 =	sadd.s32 s0, s9;
	[dreg:$0x5] =	wrdreg s6;
	s25 =	sadd.s32 s4, s23  }
0x10: {  	s8 =	sadd.s32 s7, s23;
	s9 =	sadd.s32 s1, s9;
	s11 =	sadd.s32 s4, s26  }
0x11: {  	s12 =	sadd.s32 s7, s26;
	s15 =	sadd.s32 s4, s5;
	s16 =	sadd.s32 s7, s5  }
.Ltmp0:
0x12: {  	s22 =	simm.s32 $0x7500;
	s23 =	simm.s32 $0xD900;
	(pc) =	sbr.rel .LBB2_1-.Ltmp0, $4  }
0x13: {  	s26 =	simm.s32 $0x3;
	[dreg:$0x3] =	wrdreg s10;
	s24 =	sadd.s32 s0, s13  }
0x14: {  	[dreg:$0x7] =	wrdreg s25;
	s10 =	sadd.s32 s0, s17;
	s13 =	sadd.s32 s1, s13  }
0x15: {  	s14 =	sadd.s32 s0, s18;
	s17 =	sadd.s32 s1, s17;
	s18 =	sadd.s32 s1, s18  }
0x16: {  	v0 =	vlaneseq.u32;
	s25 =	simm.s32 $0x1;
	[dreg:$0x6] =	wrdreg s24;
	s24 =	simm.s32 $0xE100  }
.LBB2_53:
0x17: {  	[hbm4b:s18+s2] =	stream.linear.scatter [tilespmem:s22], [sflag:$0x4], $0x6400, $0x38;
	[tilespmem:$0xE900] =	vst v63  }
0x18: {  	s31 =	sadd.s32 $0x1, s31  }
0x19: {  	_ =	swait.ge [sflag:s26], $0x6400;
	p0 =	sne.s32 s31, s19  }
.Ltmp1:
0x1a: {  	[sflag:s26] =	ssyncset.done $0x0;
	(pc) =	sbr.rel @!p0 .LBB2_54-.Ltmp1, $4  }
0x1b: {  	[sflag:s26] =	ssyncadd.s32 $0xFFFF9C00  }
0x1c: {  	_ =	swait.ge [sflag:s29], $0x6400  }
0x1d: {  	[sflag:s29] =	ssyncset.done $0x0  }
0x1e: {  	[sflag:s29] =	ssyncadd.s32 $0xFFFF9C00  }
.LBB2_1:
0x1f: {  	s0 =	rddreg [dreg:$0x3]  }
0x20: {  	[tilespmem:s2], [sflag:$0x1] =	stream.linear.gather [hbm4b:s0+s2], $0x6400, $0x38;
	[tilespmem:$0xE900] =	vst v63  }
0x21: {  	s4 =	rddreg [dreg:$0x4]  }
0x22: {  	[tilespmem:s20], [sflag:$0x1] =	stream.linear.gather [hbm4b:s4+s2], $0x800, $0x38;
	[tilespmem:$0xE900] =	vst v63  }
0x23: {  	s5 =	rddreg [dreg:$0x5]  }
0x24: {  	[tilespmem:s21], [sflag:$0x1] =	stream.linear.gather [hbm4b:s5+s2], $0x800, $0x38;
	[tilespmem:$0xE900] =	vst v63  }
0x25: {  	s6 =	rddreg [dreg:$0x6]  }
0x26: {  	[tilespmem:s22], [sflag:$0x2] =	stream.linear.gather [hbm4b:s6+s2], $0x6400, $0x38;
	[tilespmem:$0xE900] =	vst v63  }
0x27: {  	s7 =	rddreg [dreg:$0x7]  }
0x28: {  	[tilespmem:s23], [sflag:$0x2] =	stream.linear.gather [hbm4b:s7+s2], $0x800, $0x38;
	[tilespmem:$0xE900] =	vst v63  }
0x29: {  	_ = 	snop  }
0x2a: {  	[tilespmem:s24], [sflag:$0x2] =	stream.linear.gather [hbm4b:s8+s2], $0x800, $0x38;
	[tilespmem:$0xE900] =	vst v63  }
0x2b: {  	_ =	swait.ge [sflag:s25], $0x6400  }
0x2c: {  	[sflag:s25] =	ssyncset.done $0x0  }
0x2d: {  	[sflag:s25] =	ssyncadd.s32 $0xFFFF9C00  }
0x2e: {  	_ =	swait.ge [sflag:s25], $0x800  }
.Ltmp2:
0x2f: {  	[sflag:s25] =	ssyncset.done $0x0;
	(pc) =	sbr.rel .LBB2_2-.Ltmp2, $4  }
0x30: {  	[sflag:s25] =	ssyncadd.s32 $0xFFFFF800  }
0x31: {  	_ =	swait.ge [sflag:s25], $0x800  }
0x32: {  	[sflag:s25] =	ssyncset.done $0x0  }
0x33: {  	s1 =	simm.s32 $0x0;
	s0 =	simm.s32 $0x0;
	[sflag:s25] =	ssyncadd.s32 $0xFFFFF800  }
.LBB2_4:
0x34: {  	v3 =	vimm.s32 $0x0  }
.LBB2_12:
0x35: {  	p0 =	slt.s32 s3, $0xC1  }
0x36: {  	s3 =	smul.u32 @!p0 $0x320, s1;
	_ =	sdelay $0x1  }
0x37: {  	s3 =	sshra.s32 @!p0 s3, $0x2  }
0x38: {  	v4 =	vld @!p0 [tilespmem:s3+$0xB8];
	_ =	sdelay $0x2  }
0x39: {  	v5 =	vlaneseq.u32 @!p0  }
0x3a: {  	v6 =	vadd.s32 @!p0 $0xB8, v5  }
0x3b: {  	vm1 =	vgt.s32 @!p0 v2, v6;
	vm0 =	vne.s32 @!p0 v4, $0x0  }
0x3c: {  	vm0 =	vmand @!p0 vm1, vm0;
	vm1 =	vcmask @!p0 $0x3F20  }
0x3d: {  	vm1 =	vmand @!p0 vm0, vm1  }
0x3e: {  	v2 =	vmpcnt.ones.xlane @!p0 vm1;
	_ =	sdelay $0x1  }
0x3f: {  	v4 =	vadd.s32 @!p0 v3, v2  }
0x40: {  	v4 =	vpsel p0, v3, v4  }
0x41: {  	v7 =	vcvt.s32.f32 v4;
	_ =	sdelay $0x1  }
0x42: {  	v8 =	vmin.f32 v7, $5.000000000e+00  }
0x43: {  	v9 =	vadd.f32 $-1.000000000e+00, v8  }
0x44: {  	v10 =	vbroadcast v1, $0x5  }
0x45: {  	v8 =	vtrunc.f32 v8;
	v9 =	vmax.f32 v9, $1.000000000e+00  }
0x46: {  	v8 =	vcvt.f32.s32 v8;
	v9 =	vmul.f32 v9, v10  }
0x47: {  	vm1 =	vcmask @!p0 $0x1F00  }
0x48: {  	v10 =	vimm.s32 @!p0 $0x800000C7;
	vm11 =	vgt.s32 v8, $0x2;
	v9 =	vtrunc.f32 v9  }
0x49: {  	v10 =	vsel @!p0 vm1, $0xC0000000, v10;
	vm1 =	vcmask @!p0 $0x2320;
	v9 =	vcvt.f32.s32 v9  }
0x4a: {  	v8 =	vnsel vm11, $0x2, v8;
	v10 =	vsel @!p0 vm1, $0x800000C0, v10;
	vm1 =	vcmask @!p0 $0x2724  }
0x4b: {  	v10 =	vsel @!p0 vm1, $0x800000C1, v10;
	vm1 =	vcmask @!p0 $0x2B28;
	v9 =	vadd.s32 $0x2, v9  }
0x4c: {  	v10 =	vsel @!p0 vm1, $0x800000C2, v10;
	vm1 =	vcmask @!p0 $0x2F2C;
	vm2 =	vgt.s32 v9, $0x2  }
0x4d: {  	v10 =	vsel @!p0 vm1, $0x800000C3, v10;
	vm1 =	vcmask @!p0 $0x3330;
	v9 =	vnsel vm2, $0x2, v9  }
0x4e: {  	v10 =	vsel @!p0 vm1, $0x800000C4, v10;
	vm1 =	vcmask @!p0 $0x3734;
	v8 =	vmin.u32 v8, v9  }
0x4f: {  	v9 =	vsel @!p0 vm1, $0x800000C5, v10;
	vm1 =	vcmask @!p0 $0x3B38;
	v60 =	vcvt.s32.f32 v8  }
0x50: {  	v9 =	vsel @!p0 vm1, $0x800000C6, v9  }
0x51: {  	v9 =	vnsel @!p0 vm0, $0xC0000000, v9;
	v7 =	vsub.f32 v7, v60  }
0x52: {  	(xrf1) =	vsort.ascd.msk.u32 @!p0 $0xffff, v9, v6  }
0x53: {  	v61 =	vadd.f32 $1.000000000e+00, v7  }
0x54: {  	v62 =	vbroadcast v1, $0x6  }
0x55: {  	v6 =	vmax.f32 v61, $1.000000000e+00  }
0x56: {  	v6 =	vmul.f32 v6, v62;
	_ =	sdelay $0x1  }
0x57: {  	v6 =	vtrunc.f32 v6  }
0x58: {  	v6 =	vcvt.f32.s32 v6;
	_ =	sdelay $0x1  }
0x59: {  	v6 =	vadd.s32 v0, v6  }
0x5a: {  	vm0 =	vgt.s32 @!p0 v2, v5;
	vm12 =	vgt.s32 v6, $0x0  }
0x5b: {  	v2 =	vadd.s32 @!p0 v5, v3;
	v3 =	vnsel vm12, $0x0, v6  }
0x5c: {  	v3 =	vmin.u32 v3, $0xC7;
	_ =	sdelay $0x1  }
0x5d: {  	v5, _, _ =	vpop @!p0 (xrf1)  }
0x5e: {  	s3 =	simm.s32 @!p0 $0x7400;
	v5 =	vxor.u32 @!p0 $0x80000000, v5  }
0x5f: {  	[tilespmem:v2+s3+$0x0] =	vst.idx.msk @!p0 vm0, v5  }
0x60: {  	v2 =	vld.idx.msk [tilespmem:v3+s30+$0x0], $0xffff;
	_ =	sdelay $0x3  }
0x61: {  	v3 =	vmov s1  }
0x62: {  	v3 =	vmul.u32 $0xC8, v3;
	vm13 =	vgt.s32 v2, $0x0  }
0x63: {  	v2 =	vnsel vm13, $0x0, v2  }
0x64: {  	v3 =	vbroadcast v3, $0x0;
	v2 =	vmin.u32 v2, $0xC7  }
0x65: {  	v63 =	vand.u32 $0xF8, v2  }
0x66: {  	v2 =	vand.u32 $0x7, v2;
	v3 =	vadd.s32 v3, v63  }
0x67: {  	v2 =	vor.u32 v2, v3;
	_ =	sdelay $0x4  }
0x68: {  	v3 =	vld.idx.msk [tilespmem:v2+s2+$0x0], $0xffff;
	_ =	sdelay $0x2  }
0x69: {  	vm14 =	vgt.u32 v8, v0  }
0x6a: {  	v1 =	vnsel vm14, $0x7F800000, v1  }
0x6b: {  	(xrf1) =	vsort.ascd.msk.f32 $0xffff, v1, v3;
	_ =	sdelay $0x7  }
0x6c: {  	vm15 =	vgt.s32 v4, $0x1  }
0x6d: {  	vm0 =	vmand vm15, vm14;
	_ =	sdelay $0x4  }
0x6e: {  	_, v1, _ =	vpop (xrf1)  }
0x6f: {  	[tilespmem:v2+s2+$0x0] =	vst.idx.msk vm0, v1  }
.LBB2_13:
0x70: {  	s1 =	sadd.s32 $0x1, s1  }
0x71: {  	p0 =	sne.s32 s1, $0x80  }
.Ltmp3:
0x72: {  	_ = 	snop;
	(pc) =	sbr.rel @!p0 .LBB2_14-.Ltmp3, $2  }
0x73: {  	_ =	sdelay $0x2  }
0x74: {  	s0 =	sadd.s32 $0xC8, s0  }
.LBB2_2:
0x75: {  	s4 =	sshll.u32 s1, $0x4  }
0x76: {  	v2 =	vld [tilespmem:s4+$0x6C00];
	_ =	sdelay $0x4  }
0x77: {  	(v2sf) =	vpush v2, $0x0;
	_ =	sdelay $0xe  }
0x78: {  	s3 =	spop (v2sf)  }
0x79: {  	p0 =	seq.s32 s3, $0x0  }
.Ltmp4:
0x7a: {  	_ = 	snop;
	(pc) =	sbr.rel @p0 .LBB2_13-.Ltmp4, $1  }
0x7b: {  	_ =	sdelay $0x3  }
0x7c: {  	(v2sf) =	vpush v2, $0x1;
	_ =	sdelay $0xe  }
0x7d: {  	s3 =	spop (v2sf)  }
0x7e: {  	s5 =	sadd.s32 $0xF, s3  }
0x7f: {  	s6 =	sand.u32 $0xF, s5  }
0x80: {  	s7 =	sshra.s32 s5, $0x1F;
	p1 =	slt.s32 s5, $0x1;
	p0 =	sne.s32 s6, $0x0  }
0x81: {  	s6 =	sshrl.u32 s7, $0x1C;
	p0 =	por !p1, !p0  }
0x82: {  	s5 =	sadd.s32 s6, s5;
	s6 =	simm.s32 $0x1;
	p0 =	por !p0, !p0  }
0x83: {  	s5 =	sshra.s32 s5, $0x4;
	s6 =	simm.s32 @!p0 $0x0  }
0x84: {  	s5 =	ssub.s32 s5, s6  }
0x85: {  	p0 =	slt.s32 s5, $0x1  }
.Ltmp5:
0x86: {  	_ = 	snop;
	(pc) =	sbr.rel @p0 .LBB2_4-.Ltmp5, $2  }
0x87: {  	_ =	sdelay $0x2  }
0x88: {  	v1 =	vld [tilespmem:s4+$0x6400];
	v2 =	vbroadcast v2, $0x1  }
0x89: {  	s5 =	smin.u32 s5, $0xC  }
0x8a: {  	p1 =	sne.s32 s5, $0x1  }
.Ltmp6:
0x8b: {  	_ = 	snop;
	(pc) =	sbr.rel @!p1 .LBB2_6-.Ltmp6, $2  }
0x8c: {  	_ =	sdelay $0x2  }
0x8d: {  	v5 =	vimm.s32 $0x0;
	s4 =	simm.s32 $0x0;
	v6 =	vld [tilespmem:s0+$0x0];
	p0 =	por $0x0, $0x0;
	s5 =	sadd.s32 $0xFFFFFFFF, s5  }
0x8e: {  	_ =	sdelay $0x2  }
0x8f: {  	v3 =	vor.u32 s4, v0  }
0x90: {  	vm1 =	vlt.s32 v3, v2;
	vm0 =	vne.s32 v6, $0x0  }
0x91: {  	v4 =	vxor.u32 $0x80000000, v3;
	vm0 =	vmand vm1, vm0  }
0x92: {  	v4 =	vnsel vm0, $0xC0000000, v4  }
0x93: {  	(xrf1) =	vsort.ascd.msk.u32 $0xffff, v4, v3;
	_ =	sdelay $0x7  }
0x94: {  	v3 =	vmpcnt.ones.xlane vm0;
	_ =	sdelay $0x1  }
0x95: {  	vm0 =	vgt.s32 v3, v0  }
0x96: {  	v6 =	vadd.s32 v0, v5  }
0x97: {  	p1 =	sne.s32 s5, $0x1  }
.Ltmp7:
0x98: {  	_ = 	snop;
	(pc) =	sbr.rel @!p1 .LBB2_8-.Ltmp7, $4  }
0x99: {  	v4, _, _ =	vpop (xrf1)  }
0x9a: {  	v7 =	vxor.u32 $0x80000000, v4  }
0x9b: {  	s6 =	sadd.s32 $0x10, s0;
	v4 =	vadd.s32 v5, v3;
	[tilespmem:v6+s30+$0x0] =	vst.idx.msk vm0, v7  }
0x9c: {  	s7 =	sadd.s32 $0xFFFFFFFF, s5;
	p0 =	por $0x1, $0x1;
	s5 =	simm.s32 $0x0;
	v3 =	vmov v4;
	v6 =	vld [tilespmem:s6+$0x0]  }
.LBB2_9:
0x9d: {  	p1 =	sne.s32 s7, $0x1;
	_ =	sdelay $0x1  }
0x9e: {  	s5 =	sadd.s32 $0x10, s5  }
0x9f: {  	v5 =	vor.u32 s5, v0  }
0xa0: {  	vm1 =	vlt.s32 v5, v2;
	vm0 =	vne.s32 v6, $0x0  }
0xa1: {  	v6 =	vxor.u32 $0x80000000, v5;
	vm0 =	vmand vm1, vm0  }
0xa2: {  	v6 =	vnsel vm0, $0xC0000000, v6  }
0xa3: {  	(xrf1) =	vsort.ascd.msk.u32 $0xffff, v6, v5;
	_ =	sdelay $0x7  }
0xa4: {  	v5 =	vmpcnt.ones.xlane vm0;
	_ =	sdelay $0x1  }
0xa5: {  	vm0 =	vgt.s32 v5, v0;
	v4 =	vadd.s32 v4, v5  }
0xa6: {  	v5 =	vadd.s32 v0, v3;
	v3 =	vmov v4;
	_ =	sdelay $0x1  }
.Ltmp8:
0xa7: {  	(pc) =	sbr.rel @p1 .LBB2_9-.Ltmp8, $4  }
0xa8: {  	v6, _, _ =	vpop (xrf1)  }
0xa9: {  	v6 =	vxor.u32 $0x80000000, v6  }
0xaa: {  	s6 =	sadd.s32 $0x10, s6;
	[tilespmem:v5+s30+$0x0] =	vst.idx.msk vm0, v6  }
0xab: {  	s7 =	sadd.s32 $0xFFFFFFFF, s7;
	v6 =	vld [tilespmem:s6+$0x0]  }
0xac: {  	v5 =	vmov v4  }
.LBB2_11:
0xad: {  	s5 =	sadd.s32 @p0 $0x10, s5  }
0xae: {  	s4 =	smov.u32 @p0 s5  }
0xaf: {  	v4 =	vor.u32 s4, v0  }
0xb0: {  	vm0 =	vne.s32 v6, $0x0;
	vm1 =	vlt.s32 v4, v2  }
0xb1: {  	v62 =	vxor.u32 $0x80000000, v4;
	vm0 =	vmand vm1, vm0  }
0xb2: {  	v6 =	vnsel vm0, $0xC0000000, v62  }
0xb3: {  	(xrf1) =	vsort.ascd.msk.u32 $0xffff, v6, v4;
	_ =	sdelay $0x7  }
0xb4: {  	v4 =	vmpcnt.ones.xlane vm0;
	_ =	sdelay $0x1  }
0xb5: {  	vm0 =	vgt.s32 v4, v0  }
0xb6: {  	v63 =	vadd.s32 v0, v3  }
.Ltmp9:
0xb7: {  	_ = 	snop;
	(pc) =	sbr.rel .LBB2_12-.Ltmp9, $4  }
0xb8: {  	_ = 	snop  }
0xb9: {  	v3, _, _ =	vpop (xrf1)  }
0xba: {  	v7 =	vxor.u32 $0x80000000, v3  }
0xbb: {  	v3 =	vadd.s32 v5, v4;
	[tilespmem:v63+s30+$0x0] =	vst.idx.msk vm0, v7  }
.LBB2_6:
.Ltmp10:
0xbc: {  	(pc) =	sbr.rel .LBB2_11-.Ltmp10, $2  }
0xbd: {  	_ =	sdelay $0x2  }
0xbe: {  	s5 =	simm.s32 $0x0;
	v3 =	vimm.s32 $0x0  }
.LBB2_8:
.Ltmp11:
0xbf: {  	(pc) =	sbr.rel .LBB2_11-.Ltmp11, $2  }
0xc0: {  	_ =	sdelay $0x2  }
0xc1: {  	s5 =	simm.s32 $0x0;
	v5 =	vmov v4;
	v3 =	vmov v4  }
.LBB2_14:
0xc2: {  	s0 =	simm.s32 $0x0  }
0xc3: {  	[hbm4b:s9+s0] =	stream.linear.scatter [tilespmem:s0], [sflag:$0x3], $0x6400, $0x38;
	[tilespmem:$0xE900] =	vst v63  }
0xc4: {  	_ =	swait.ge [sflag:s26], $0x6400  }
0xc5: {  	[sflag:s26] =	ssyncset.done $0x0  }
0xc6: {  	[sflag:s26] =	ssyncadd.s32 $0xFFFF9C00  }
0xc7: {  	[tilespmem:s0], [sflag:$0x1] =	stream.linear.gather [hbm4b:s10+s0], $0x6400, $0x38;
	[tilespmem:$0xE900] =	vst v63  }
0xc8: {  	_ = 	snop  }
0xc9: {  	[tilespmem:s20], [sflag:$0x1] =	stream.linear.gather [hbm4b:s11+s0], $0x800, $0x38;
	[tilespmem:$0xE900] =	vst v63  }
0xca: {  	_ = 	snop  }
0xcb: {  	[tilespmem:s21], [sflag:$0x1] =	stream.linear.gather [hbm4b:s12+s0], $0x800, $0x38;
	[tilespmem:$0xE900] =	vst v63  }
0xcc: {  	_ =	swait.ge [sflag:s28], $0x6400  }
0xcd: {  	[sflag:s28] =	ssyncset.done $0x0  }
0xce: {  	[sflag:s28] =	ssyncadd.s32 $0xFFFF9C00  }
0xcf: {  	_ =	swait.ge [sflag:s28], $0x800  }
.Ltmp12:
0xd0: {  	[sflag:s28] =	ssyncset.done $0x0;
	(pc) =	sbr.rel .LBB2_15-.Ltmp12, $4  }
0xd1: {  	[sflag:s28] =	ssyncadd.s32 $0xFFFFF800  }
0xd2: {  	_ =	swait.ge [sflag:s28], $0x800  }
0xd3: {  	[sflag:s28] =	ssyncset.done $0x0  }
0xd4: {  	s1 =	simm.s32 $0x7500;
	[sflag:s28] =	ssyncadd.s32 $0xFFFFF800  }
.LBB2_17:
0xd5: {  	v3 =	vimm.s32 $0x0  }
.LBB2_25:
0xd6: {  	p0 =	slt.s32 s3, $0xC1  }
0xd7: {  	s3 =	smul.u32 @!p0 $0x320, s0;
	_ =	sdelay $0x1  }
0xd8: {  	s3 =	sshra.s32 @!p0 s3, $0x2  }
0xd9: {  	v4 =	vld @!p0 [tilespmem:s3+$0x75B8];
	_ =	sdelay $0x2  }
0xda: {  	v5 =	vlaneseq.u32 @!p0  }
0xdb: {  	v6 =	vadd.s32 @!p0 $0xB8, v5  }
0xdc: {  	vm1 =	vgt.s32 @!p0 v2, v6;
	vm0 =	vne.s32 @!p0 v4, $0x0  }
0xdd: {  	vm0 =	vmand @!p0 vm1, vm0;
	vm1 =	vcmask @!p0 $0x3F20  }
0xde: {  	vm1 =	vmand @!p0 vm0, vm1  }
0xdf: {  	v2 =	vmpcnt.ones.xlane @!p0 vm1;
	_ =	sdelay $0x1  }
0xe0: {  	v4 =	vadd.s32 @!p0 v3, v2  }
0xe1: {  	v4 =	vpsel p0, v3, v4  }
0xe2: {  	v7 =	vcvt.s32.f32 v4;
	_ =	sdelay $0x1  }
0xe3: {  	v8 =	vmin.f32 v7, $5.000000000e+00  }
0xe4: {  	v9 =	vadd.f32 $-1.000000000e+00, v8  }
0xe5: {  	v10 =	vbroadcast v1, $0x5  }
0xe6: {  	v8 =	vtrunc.f32 v8;
	v9 =	vmax.f32 v9, $1.000000000e+00  }
0xe7: {  	v8 =	vcvt.f32.s32 v8;
	v9 =	vmul.f32 v9, v10  }
0xe8: {  	vm1 =	vcmask @!p0 $0x1F00  }
0xe9: {  	v10 =	vimm.s32 @!p0 $0x800000C7;
	vm11 =	vgt.s32 v8, $0x2;
	v9 =	vtrunc.f32 v9  }
0xea: {  	v10 =	vsel @!p0 vm1, $0xC0000000, v10;
	vm1 =	vcmask @!p0 $0x2320;
	v9 =	vcvt.f32.s32 v9  }
0xeb: {  	v8 =	vnsel vm11, $0x2, v8;
	v10 =	vsel @!p0 vm1, $0x800000C0, v10;
	vm1 =	vcmask @!p0 $0x2724  }
0xec: {  	v10 =	vsel @!p0 vm1, $0x800000C1, v10;
	vm1 =	vcmask @!p0 $0x2B28;
	v9 =	vadd.s32 $0x2, v9  }
0xed: {  	v10 =	vsel @!p0 vm1, $0x800000C2, v10;
	vm1 =	vcmask @!p0 $0x2F2C;
	vm2 =	vgt.s32 v9, $0x2  }
0xee: {  	v10 =	vsel @!p0 vm1, $0x800000C3, v10;
	vm1 =	vcmask @!p0 $0x3330;
	v9 =	vnsel vm2, $0x2, v9  }
0xef: {  	v10 =	vsel @!p0 vm1, $0x800000C4, v10;
	vm1 =	vcmask @!p0 $0x3734;
	v8 =	vmin.u32 v8, v9  }
0xf0: {  	v9 =	vsel @!p0 vm1, $0x800000C5, v10;
	vm1 =	vcmask @!p0 $0x3B38;
	v60 =	vcvt.s32.f32 v8  }
0xf1: {  	v9 =	vsel @!p0 vm1, $0x800000C6, v9  }
0xf2: {  	v9 =	vnsel @!p0 vm0, $0xC0000000, v9;
	v7 =	vsub.f32 v7, v60  }
0xf3: {  	(xrf1) =	vsort.ascd.msk.u32 @!p0 $0xffff, v9, v6  }
0xf4: {  	v61 =	vadd.f32 $1.000000000e+00, v7  }
0xf5: {  	v62 =	vbroadcast v1, $0x6  }
0xf6: {  	v6 =	vmax.f32 v61, $1.000000000e+00  }
0xf7: {  	v6 =	vmul.f32 v6, v62;
	_ =	sdelay $0x1  }
0xf8: {  	v6 =	vtrunc.f32 v6  }
0xf9: {  	v6 =	vcvt.f32.s32 v6;
	_ =	sdelay $0x1  }
0xfa: {  	v6 =	vadd.s32 v0, v6  }
0xfb: {  	vm0 =	vgt.s32 @!p0 v2, v5;
	vm12 =	vgt.s32 v6, $0x0  }
0xfc: {  	v2 =	vadd.s32 @!p0 v5, v3;
	v3 =	vnsel vm12, $0x0, v6  }
0xfd: {  	v3 =	vmin.u32 v3, $0xC7;
	_ =	sdelay $0x1  }
0xfe: {  	v5, _, _ =	vpop @!p0 (xrf1)  }
0xff: {  	s3 =	simm.s32 @!p0 $0x7400;
	v5 =	vxor.u32 @!p0 $0x80000000, v5  }
0x100: {  	[tilespmem:v2+s3+$0x0] =	vst.idx.msk @!p0 vm0, v5  }
0x101: {  	v2 =	vld.idx.msk [tilespmem:v3+s30+$0x0], $0xffff;
	_ =	sdelay $0x3  }
0x102: {  	v3 =	vmov s0  }
0x103: {  	v3 =	vmul.u32 $0xC8, v3;
	vm13 =	vgt.s32 v2, $0x0  }
0x104: {  	v2 =	vnsel vm13, $0x0, v2  }
0x105: {  	v3 =	vbroadcast v3, $0x0;
	v2 =	vmin.u32 v2, $0xC7  }
0x106: {  	v63 =	vand.u32 $0xF8, v2  }
0x107: {  	v2 =	vand.u32 $0x7, v2;
	v3 =	vadd.s32 v3, v63  }
0x108: {  	v2 =	vor.u32 v2, v3;
	_ =	sdelay $0x4  }
0x109: {  	v3 =	vld.idx.msk [tilespmem:v2+s22+$0x0], $0xffff;
	_ =	sdelay $0x2  }
0x10a: {  	vm14 =	vgt.u32 v8, v0  }
0x10b: {  	v1 =	vnsel vm14, $0x7F800000, v1  }
0x10c: {  	(xrf1) =	vsort.ascd.msk.f32 $0xffff, v1, v3;
	_ =	sdelay $0x7  }
0x10d: {  	vm15 =	vgt.s32 v4, $0x1  }
0x10e: {  	vm0 =	vmand vm15, vm14;
	_ =	sdelay $0x4  }
0x10f: {  	_, v1, _ =	vpop (xrf1)  }
0x110: {  	[tilespmem:v2+s22+$0x0] =	vst.idx.msk vm0, v1  }
.LBB2_26:
0x111: {  	s0 =	sadd.s32 $0x1, s0  }
0x112: {  	p0 =	sne.s32 s0, $0x80  }
.Ltmp13:
0x113: {  	_ = 	snop;
	(pc) =	sbr.rel @!p0 .LBB2_27-.Ltmp13, $2  }
0x114: {  	_ =	sdelay $0x2  }
0x115: {  	s1 =	sadd.s32 $0xC8, s1  }
.LBB2_15:
0x116: {  	s4 =	sshll.u32 s0, $0x4  }
0x117: {  	v2 =	vld [tilespmem:s4+$0xE100];
	_ =	sdelay $0x4  }
0x118: {  	(v2sf) =	vpush v2, $0x0;
	_ =	sdelay $0xe  }
0x119: {  	s3 =	spop (v2sf)  }
0x11a: {  	p0 =	seq.s32 s3, $0x0  }
.Ltmp14:
0x11b: {  	_ = 	snop;
	(pc) =	sbr.rel @p0 .LBB2_26-.Ltmp14, $1  }
0x11c: {  	_ =	sdelay $0x3  }
0x11d: {  	(v2sf) =	vpush v2, $0x1;
	_ =	sdelay $0xe  }
0x11e: {  	s3 =	spop (v2sf)  }
0x11f: {  	s5 =	sadd.s32 $0xF, s3  }
0x120: {  	s6 =	sand.u32 $0xF, s5  }
0x121: {  	s7 =	sshra.s32 s5, $0x1F;
	p1 =	slt.s32 s5, $0x1;
	p0 =	sne.s32 s6, $0x0  }
0x122: {  	s6 =	sshrl.u32 s7, $0x1C;
	p0 =	por !p1, !p0  }
0x123: {  	s5 =	sadd.s32 s6, s5;
	s6 =	simm.s32 $0x1;
	p0 =	por !p0, !p0  }
0x124: {  	s5 =	sshra.s32 s5, $0x4;
	s6 =	simm.s32 @!p0 $0x0  }
0x125: {  	s5 =	ssub.s32 s5, s6  }
0x126: {  	p0 =	slt.s32 s5, $0x1  }
.Ltmp15:
0x127: {  	_ = 	snop;
	(pc) =	sbr.rel @p0 .LBB2_17-.Ltmp15, $2  }
0x128: {  	_ =	sdelay $0x2  }
0x129: {  	v1 =	vld [tilespmem:s4+$0xD900];
	v2 =	vbroadcast v2, $0x1  }
0x12a: {  	s5 =	smin.u32 s5, $0xC  }
0x12b: {  	p1 =	sne.s32 s5, $0x1  }
.Ltmp16:
0x12c: {  	_ = 	snop;
	(pc) =	sbr.rel @!p1 .LBB2_19-.Ltmp16, $2  }
0x12d: {  	_ =	sdelay $0x2  }
0x12e: {  	v5 =	vimm.s32 $0x0;
	s4 =	simm.s32 $0x0;
	v6 =	vld [tilespmem:s1+$0x0];
	p0 =	por $0x0, $0x0;
	s5 =	sadd.s32 $0xFFFFFFFF, s5  }
0x12f: {  	_ =	sdelay $0x2  }
0x130: {  	v3 =	vor.u32 s4, v0  }
0x131: {  	vm1 =	vlt.s32 v3, v2;
	vm0 =	vne.s32 v6, $0x0  }
0x132: {  	v4 =	vxor.u32 $0x80000000, v3;
	vm0 =	vmand vm1, vm0  }
0x133: {  	v4 =	vnsel vm0, $0xC0000000, v4  }
0x134: {  	(xrf1) =	vsort.ascd.msk.u32 $0xffff, v4, v3;
	_ =	sdelay $0x7  }
0x135: {  	v3 =	vmpcnt.ones.xlane vm0;
	_ =	sdelay $0x1  }
0x136: {  	vm0 =	vgt.s32 v3, v0  }
0x137: {  	v6 =	vadd.s32 v0, v5  }
0x138: {  	p1 =	sne.s32 s5, $0x1  }
.Ltmp17:
0x139: {  	_ = 	snop;
	(pc) =	sbr.rel @!p1 .LBB2_21-.Ltmp17, $4  }
0x13a: {  	v4, _, _ =	vpop (xrf1)  }
0x13b: {  	v7 =	vxor.u32 $0x80000000, v4  }
0x13c: {  	s6 =	sadd.s32 $0x10, s1;
	v4 =	vadd.s32 v5, v3;
	[tilespmem:v6+s30+$0x0] =	vst.idx.msk vm0, v7  }
0x13d: {  	s7 =	sadd.s32 $0xFFFFFFFF, s5;
	p0 =	por $0x1, $0x1;
	s5 =	simm.s32 $0x0;
	v3 =	vmov v4;
	v6 =	vld [tilespmem:s6+$0x0]  }
.LBB2_22:
0x13e: {  	p1 =	sne.s32 s7, $0x1;
	_ =	sdelay $0x1  }
0x13f: {  	s5 =	sadd.s32 $0x10, s5  }
0x140: {  	v5 =	vor.u32 s5, v0  }
0x141: {  	vm1 =	vlt.s32 v5, v2;
	vm0 =	vne.s32 v6, $0x0  }
0x142: {  	v6 =	vxor.u32 $0x80000000, v5;
	vm0 =	vmand vm1, vm0  }
0x143: {  	v6 =	vnsel vm0, $0xC0000000, v6  }
0x144: {  	(xrf1) =	vsort.ascd.msk.u32 $0xffff, v6, v5;
	_ =	sdelay $0x7  }
0x145: {  	v5 =	vmpcnt.ones.xlane vm0;
	_ =	sdelay $0x1  }
0x146: {  	vm0 =	vgt.s32 v5, v0;
	v4 =	vadd.s32 v4, v5  }
0x147: {  	v5 =	vadd.s32 v0, v3;
	v3 =	vmov v4;
	_ =	sdelay $0x1  }
.Ltmp18:
0x148: {  	(pc) =	sbr.rel @p1 .LBB2_22-.Ltmp18, $4  }
0x149: {  	v6, _, _ =	vpop (xrf1)  }
0x14a: {  	v6 =	vxor.u32 $0x80000000, v6  }
0x14b: {  	s6 =	sadd.s32 $0x10, s6;
	[tilespmem:v5+s30+$0x0] =	vst.idx.msk vm0, v6  }
0x14c: {  	s7 =	sadd.s32 $0xFFFFFFFF, s7;
	v6 =	vld [tilespmem:s6+$0x0]  }
0x14d: {  	v5 =	vmov v4  }
.LBB2_24:
0x14e: {  	s5 =	sadd.s32 @p0 $0x10, s5  }
0x14f: {  	s4 =	smov.u32 @p0 s5  }
0x150: {  	v4 =	vor.u32 s4, v0  }
0x151: {  	vm0 =	vne.s32 v6, $0x0;
	vm1 =	vlt.s32 v4, v2  }
0x152: {  	v62 =	vxor.u32 $0x80000000, v4;
	vm0 =	vmand vm1, vm0  }
0x153: {  	v6 =	vnsel vm0, $0xC0000000, v62  }
0x154: {  	(xrf1) =	vsort.ascd.msk.u32 $0xffff, v6, v4;
	_ =	sdelay $0x7  }
0x155: {  	v4 =	vmpcnt.ones.xlane vm0;
	_ =	sdelay $0x1  }
0x156: {  	vm0 =	vgt.s32 v4, v0  }
0x157: {  	v63 =	vadd.s32 v0, v3  }
.Ltmp19:
0x158: {  	_ = 	snop;
	(pc) =	sbr.rel .LBB2_25-.Ltmp19, $4  }
0x159: {  	_ = 	snop  }
0x15a: {  	v3, _, _ =	vpop (xrf1)  }
0x15b: {  	v7 =	vxor.u32 $0x80000000, v3  }
0x15c: {  	v3 =	vadd.s32 v5, v4;
	[tilespmem:v63+s30+$0x0] =	vst.idx.msk vm0, v7  }
.LBB2_19:
.Ltmp20:
0x15d: {  	(pc) =	sbr.rel .LBB2_24-.Ltmp20, $2  }
0x15e: {  	_ =	sdelay $0x2  }
0x15f: {  	s5 =	simm.s32 $0x0;
	v3 =	vimm.s32 $0x0  }
.LBB2_21:
.Ltmp21:
0x160: {  	(pc) =	sbr.rel .LBB2_24-.Ltmp21, $2  }
0x161: {  	_ =	sdelay $0x2  }
0x162: {  	s5 =	simm.s32 $0x0;
	v5 =	vmov v4;
	v3 =	vmov v4  }
.LBB2_27:
0x163: {  	s0 =	simm.s32 $0x0  }
0x164: {  	[hbm4b:s13+s0] =	stream.linear.scatter [tilespmem:s22], [sflag:$0x4], $0x6400, $0x38;
	[tilespmem:$0xE900] =	vst v63  }
0x165: {  	_ =	swait.ge [sflag:s29], $0x6400  }
0x166: {  	[sflag:s29] =	ssyncset.done $0x0  }
0x167: {  	[sflag:s29] =	ssyncadd.s32 $0xFFFF9C00  }
0x168: {  	[tilespmem:s22], [sflag:$0x2] =	stream.linear.gather [hbm4b:s14+s0], $0x6400, $0x38;
	[tilespmem:$0xE900] =	vst v63  }
0x169: {  	_ = 	snop  }
0x16a: {  	[tilespmem:s23], [sflag:$0x2] =	stream.linear.gather [hbm4b:s15+s0], $0x800, $0x38;
	[tilespmem:$0xE900] =	vst v63  }
0x16b: {  	_ = 	snop  }
0x16c: {  	[tilespmem:s24], [sflag:$0x2] =	stream.linear.gather [hbm4b:s16+s0], $0x800, $0x38;
	[tilespmem:$0xE900] =	vst v63  }
0x16d: {  	_ =	swait.ge [sflag:s25], $0x6400  }
0x16e: {  	[sflag:s25] =	ssyncset.done $0x0  }
0x16f: {  	[sflag:s25] =	ssyncadd.s32 $0xFFFF9C00  }
0x170: {  	_ =	swait.ge [sflag:s25], $0x800  }
.Ltmp22:
0x171: {  	[sflag:s25] =	ssyncset.done $0x0;
	(pc) =	sbr.rel .LBB2_28-.Ltmp22, $4  }
0x172: {  	[sflag:s25] =	ssyncadd.s32 $0xFFFFF800  }
0x173: {  	_ =	swait.ge [sflag:s25], $0x800  }
0x174: {  	[sflag:s25] =	ssyncset.done $0x0  }
0x175: {  	s1 =	simm.s32 $0x0;
	[sflag:s25] =	ssyncadd.s32 $0xFFFFF800  }
.LBB2_30:
0x176: {  	v3 =	vimm.s32 $0x0  }
.LBB2_38:
0x177: {  	p0 =	slt.s32 s3, $0xC1  }
0x178: {  	s3 =	smul.u32 @!p0 $0x320, s1;
	_ =	sdelay $0x1  }
0x179: {  	s3 =	sshra.s32 @!p0 s3, $0x2  }
0x17a: {  	v4 =	vld @!p0 [tilespmem:s3+$0xB8];
	_ =	sdelay $0x2  }
0x17b: {  	v5 =	vlaneseq.u32 @!p0  }
0x17c: {  	v6 =	vadd.s32 @!p0 $0xB8, v5  }
0x17d: {  	vm1 =	vgt.s32 @!p0 v2, v6;
	vm0 =	vne.s32 @!p0 v4, $0x0  }
0x17e: {  	vm0 =	vmand @!p0 vm1, vm0;
	vm1 =	vcmask @!p0 $0x3F20  }
0x17f: {  	vm1 =	vmand @!p0 vm0, vm1  }
0x180: {  	v2 =	vmpcnt.ones.xlane @!p0 vm1;
	_ =	sdelay $0x1  }
0x181: {  	v4 =	vadd.s32 @!p0 v3, v2  }
0x182: {  	v4 =	vpsel p0, v3, v4  }
0x183: {  	v7 =	vcvt.s32.f32 v4;
	_ =	sdelay $0x1  }
0x184: {  	v8 =	vmin.f32 v7, $5.000000000e+00  }
0x185: {  	v9 =	vadd.f32 $-1.000000000e+00, v8  }
0x186: {  	v10 =	vbroadcast v1, $0x5  }
0x187: {  	v8 =	vtrunc.f32 v8;
	v9 =	vmax.f32 v9, $1.000000000e+00  }
0x188: {  	v8 =	vcvt.f32.s32 v8;
	v9 =	vmul.f32 v9, v10  }
0x189: {  	vm1 =	vcmask @!p0 $0x1F00  }
0x18a: {  	v10 =	vimm.s32 @!p0 $0x800000C7;
	vm11 =	vgt.s32 v8, $0x2;
	v9 =	vtrunc.f32 v9  }
0x18b: {  	v10 =	vsel @!p0 vm1, $0xC0000000, v10;
	vm1 =	vcmask @!p0 $0x2320;
	v9 =	vcvt.f32.s32 v9  }
0x18c: {  	v8 =	vnsel vm11, $0x2, v8;
	v10 =	vsel @!p0 vm1, $0x800000C0, v10;
	vm1 =	vcmask @!p0 $0x2724  }
0x18d: {  	v10 =	vsel @!p0 vm1, $0x800000C1, v10;
	vm1 =	vcmask @!p0 $0x2B28;
	v9 =	vadd.s32 $0x2, v9  }
0x18e: {  	v10 =	vsel @!p0 vm1, $0x800000C2, v10;
	vm1 =	vcmask @!p0 $0x2F2C;
	vm2 =	vgt.s32 v9, $0x2  }
0x18f: {  	v10 =	vsel @!p0 vm1, $0x800000C3, v10;
	vm1 =	vcmask @!p0 $0x3330;
	v9 =	vnsel vm2, $0x2, v9  }
0x190: {  	v10 =	vsel @!p0 vm1, $0x800000C4, v10;
	vm1 =	vcmask @!p0 $0x3734;
	v8 =	vmin.u32 v8, v9  }
0x191: {  	v9 =	vsel @!p0 vm1, $0x800000C5, v10;
	vm1 =	vcmask @!p0 $0x3B38;
	v60 =	vcvt.s32.f32 v8  }
0x192: {  	v9 =	vsel @!p0 vm1, $0x800000C6, v9  }
0x193: {  	v9 =	vnsel @!p0 vm0, $0xC0000000, v9;
	v7 =	vsub.f32 v7, v60  }
0x194: {  	(xrf1) =	vsort.ascd.msk.u32 @!p0 $0xffff, v9, v6  }
0x195: {  	v61 =	vadd.f32 $1.000000000e+00, v7  }
0x196: {  	v62 =	vbroadcast v1, $0x6  }
0x197: {  	v6 =	vmax.f32 v61, $1.000000000e+00  }
0x198: {  	v6 =	vmul.f32 v6, v62;
	_ =	sdelay $0x1  }
0x199: {  	v6 =	vtrunc.f32 v6  }
0x19a: {  	v6 =	vcvt.f32.s32 v6;
	_ =	sdelay $0x1  }
0x19b: {  	v6 =	vadd.s32 v0, v6  }
0x19c: {  	vm0 =	vgt.s32 @!p0 v2, v5;
	vm12 =	vgt.s32 v6, $0x0  }
0x19d: {  	v2 =	vadd.s32 @!p0 v5, v3;
	v3 =	vnsel vm12, $0x0, v6  }
0x19e: {  	v3 =	vmin.u32 v3, $0xC7;
	_ =	sdelay $0x1  }
0x19f: {  	v5, _, _ =	vpop @!p0 (xrf1)  }
0x1a0: {  	s3 =	simm.s32 @!p0 $0x7400;
	v5 =	vxor.u32 @!p0 $0x80000000, v5  }
0x1a1: {  	[tilespmem:v2+s3+$0x0] =	vst.idx.msk @!p0 vm0, v5  }
0x1a2: {  	v2 =	vld.idx.msk [tilespmem:v3+s30+$0x0], $0xffff;
	_ =	sdelay $0x3  }
0x1a3: {  	v3 =	vmov s1  }
0x1a4: {  	v3 =	vmul.u32 $0xC8, v3;
	vm13 =	vgt.s32 v2, $0x0  }
0x1a5: {  	v2 =	vnsel vm13, $0x0, v2  }
0x1a6: {  	v3 =	vbroadcast v3, $0x0;
	v2 =	vmin.u32 v2, $0xC7  }
0x1a7: {  	v63 =	vand.u32 $0xF8, v2  }
0x1a8: {  	v2 =	vand.u32 $0x7, v2;
	v3 =	vadd.s32 v3, v63  }
0x1a9: {  	v2 =	vor.u32 v2, v3;
	_ =	sdelay $0x4  }
0x1aa: {  	v3 =	vld.idx.msk [tilespmem:v2+s2+$0x0], $0xffff;
	_ =	sdelay $0x2  }
0x1ab: {  	vm14 =	vgt.u32 v8, v0  }
0x1ac: {  	v1 =	vnsel vm14, $0x7F800000, v1  }
0x1ad: {  	(xrf1) =	vsort.ascd.msk.f32 $0xffff, v1, v3;
	_ =	sdelay $0x7  }
0x1ae: {  	vm15 =	vgt.s32 v4, $0x1  }
0x1af: {  	vm0 =	vmand vm15, vm14;
	_ =	sdelay $0x4  }
0x1b0: {  	_, v1, _ =	vpop (xrf1)  }
0x1b1: {  	[tilespmem:v2+s2+$0x0] =	vst.idx.msk vm0, v1  }
.LBB2_39:
0x1b2: {  	s1 =	sadd.s32 $0x1, s1  }
0x1b3: {  	p0 =	sne.s32 s1, $0x80  }
.Ltmp23:
0x1b4: {  	_ = 	snop;
	(pc) =	sbr.rel @!p0 .LBB2_40-.Ltmp23, $2  }
0x1b5: {  	_ =	sdelay $0x2  }
0x1b6: {  	s0 =	sadd.s32 $0xC8, s0  }
.LBB2_28:
0x1b7: {  	s4 =	sshll.u32 s1, $0x4  }
0x1b8: {  	v2 =	vld [tilespmem:s4+$0x6C00];
	_ =	sdelay $0x4  }
0x1b9: {  	(v2sf) =	vpush v2, $0x0;
	_ =	sdelay $0xe  }
0x1ba: {  	s3 =	spop (v2sf)  }
0x1bb: {  	p0 =	seq.s32 s3, $0x0  }
.Ltmp24:
0x1bc: {  	_ = 	snop;
	(pc) =	sbr.rel @p0 .LBB2_39-.Ltmp24, $1  }
0x1bd: {  	_ =	sdelay $0x3  }
0x1be: {  	(v2sf) =	vpush v2, $0x1;
	_ =	sdelay $0xe  }
0x1bf: {  	s3 =	spop (v2sf)  }
0x1c0: {  	s5 =	sadd.s32 $0xF, s3  }
0x1c1: {  	s6 =	sand.u32 $0xF, s5  }
0x1c2: {  	s7 =	sshra.s32 s5, $0x1F;
	p1 =	slt.s32 s5, $0x1;
	p0 =	sne.s32 s6, $0x0  }
0x1c3: {  	s6 =	sshrl.u32 s7, $0x1C;
	p0 =	por !p1, !p0  }
0x1c4: {  	s5 =	sadd.s32 s6, s5;
	s6 =	simm.s32 $0x1;
	p0 =	por !p0, !p0  }
0x1c5: {  	s5 =	sshra.s32 s5, $0x4;
	s6 =	simm.s32 @!p0 $0x0  }
0x1c6: {  	s5 =	ssub.s32 s5, s6  }
0x1c7: {  	p0 =	slt.s32 s5, $0x1  }
.Ltmp25:
0x1c8: {  	_ = 	snop;
	(pc) =	sbr.rel @p0 .LBB2_30-.Ltmp25, $2  }
0x1c9: {  	_ =	sdelay $0x2  }
0x1ca: {  	v1 =	vld [tilespmem:s4+$0x6400];
	v2 =	vbroadcast v2, $0x1  }
0x1cb: {  	s5 =	smin.u32 s5, $0xC  }
0x1cc: {  	p1 =	sne.s32 s5, $0x1  }
.Ltmp26:
0x1cd: {  	_ = 	snop;
	(pc) =	sbr.rel @!p1 .LBB2_32-.Ltmp26, $2  }
0x1ce: {  	_ =	sdelay $0x2  }
0x1cf: {  	v5 =	vimm.s32 $0x0;
	s4 =	simm.s32 $0x0;
	v6 =	vld [tilespmem:s0+$0x0];
	p0 =	por $0x0, $0x0;
	s5 =	sadd.s32 $0xFFFFFFFF, s5  }
0x1d0: {  	_ =	sdelay $0x2  }
0x1d1: {  	v3 =	vor.u32 s4, v0  }
0x1d2: {  	vm1 =	vlt.s32 v3, v2;
	vm0 =	vne.s32 v6, $0x0  }
0x1d3: {  	v4 =	vxor.u32 $0x80000000, v3;
	vm0 =	vmand vm1, vm0  }
0x1d4: {  	v4 =	vnsel vm0, $0xC0000000, v4  }
0x1d5: {  	(xrf1) =	vsort.ascd.msk.u32 $0xffff, v4, v3;
	_ =	sdelay $0x7  }
0x1d6: {  	v3 =	vmpcnt.ones.xlane vm0;
	_ =	sdelay $0x1  }
0x1d7: {  	vm0 =	vgt.s32 v3, v0  }
0x1d8: {  	v6 =	vadd.s32 v0, v5  }
0x1d9: {  	p1 =	sne.s32 s5, $0x1  }
.Ltmp27:
0x1da: {  	_ = 	snop;
	(pc) =	sbr.rel @!p1 .LBB2_34-.Ltmp27, $4  }
0x1db: {  	v4, _, _ =	vpop (xrf1)  }
0x1dc: {  	v7 =	vxor.u32 $0x80000000, v4  }
0x1dd: {  	s6 =	sadd.s32 $0x10, s0;
	v4 =	vadd.s32 v5, v3;
	[tilespmem:v6+s30+$0x0] =	vst.idx.msk vm0, v7  }
0x1de: {  	s7 =	sadd.s32 $0xFFFFFFFF, s5;
	p0 =	por $0x1, $0x1;
	s5 =	simm.s32 $0x0;
	v3 =	vmov v4;
	v6 =	vld [tilespmem:s6+$0x0]  }
.LBB2_35:
0x1df: {  	p1 =	sne.s32 s7, $0x1;
	_ =	sdelay $0x1  }
0x1e0: {  	s5 =	sadd.s32 $0x10, s5  }
0x1e1: {  	v5 =	vor.u32 s5, v0  }
0x1e2: {  	vm1 =	vlt.s32 v5, v2;
	vm0 =	vne.s32 v6, $0x0  }
0x1e3: {  	v6 =	vxor.u32 $0x80000000, v5;
	vm0 =	vmand vm1, vm0  }
0x1e4: {  	v6 =	vnsel vm0, $0xC0000000, v6  }
0x1e5: {  	(xrf1) =	vsort.ascd.msk.u32 $0xffff, v6, v5;
	_ =	sdelay $0x7  }
0x1e6: {  	v5 =	vmpcnt.ones.xlane vm0;
	_ =	sdelay $0x1  }
0x1e7: {  	vm0 =	vgt.s32 v5, v0;
	v4 =	vadd.s32 v4, v5  }
0x1e8: {  	v5 =	vadd.s32 v0, v3;
	v3 =	vmov v4;
	_ =	sdelay $0x1  }
.Ltmp28:
0x1e9: {  	(pc) =	sbr.rel @p1 .LBB2_35-.Ltmp28, $4  }
0x1ea: {  	v6, _, _ =	vpop (xrf1)  }
0x1eb: {  	v6 =	vxor.u32 $0x80000000, v6  }
0x1ec: {  	s6 =	sadd.s32 $0x10, s6;
	[tilespmem:v5+s30+$0x0] =	vst.idx.msk vm0, v6  }
0x1ed: {  	s7 =	sadd.s32 $0xFFFFFFFF, s7;
	v6 =	vld [tilespmem:s6+$0x0]  }
0x1ee: {  	v5 =	vmov v4  }
.LBB2_37:
0x1ef: {  	s5 =	sadd.s32 @p0 $0x10, s5  }
0x1f0: {  	s4 =	smov.u32 @p0 s5  }
0x1f1: {  	v4 =	vor.u32 s4, v0  }
0x1f2: {  	vm0 =	vne.s32 v6, $0x0;
	vm1 =	vlt.s32 v4, v2  }
0x1f3: {  	v62 =	vxor.u32 $0x80000000, v4;
	vm0 =	vmand vm1, vm0  }
0x1f4: {  	v6 =	vnsel vm0, $0xC0000000, v62  }
0x1f5: {  	(xrf1) =	vsort.ascd.msk.u32 $0xffff, v6, v4;
	_ =	sdelay $0x7  }
0x1f6: {  	v4 =	vmpcnt.ones.xlane vm0;
	_ =	sdelay $0x1  }
0x1f7: {  	vm0 =	vgt.s32 v4, v0  }
0x1f8: {  	v63 =	vadd.s32 v0, v3  }
.Ltmp29:
0x1f9: {  	_ = 	snop;
	(pc) =	sbr.rel .LBB2_38-.Ltmp29, $4  }
0x1fa: {  	_ = 	snop  }
0x1fb: {  	v3, _, _ =	vpop (xrf1)  }
0x1fc: {  	v7 =	vxor.u32 $0x80000000, v3  }
0x1fd: {  	v3 =	vadd.s32 v5, v4;
	[tilespmem:v63+s30+$0x0] =	vst.idx.msk vm0, v7  }
.LBB2_32:
.Ltmp30:
0x1fe: {  	(pc) =	sbr.rel .LBB2_37-.Ltmp30, $2  }
0x1ff: {  	_ =	sdelay $0x2  }
0x200: {  	s5 =	simm.s32 $0x0;
	v3 =	vimm.s32 $0x0  }
.LBB2_34:
.Ltmp31:
0x201: {  	(pc) =	sbr.rel .LBB2_37-.Ltmp31, $2  }
0x202: {  	_ =	sdelay $0x2  }
0x203: {  	s5 =	simm.s32 $0x0;
	v5 =	vmov v4;
	v3 =	vmov v4  }
.LBB2_40:
0x204: {  	s0 =	simm.s32 $0x0  }
0x205: {  	[hbm4b:s17+s0] =	stream.linear.scatter [tilespmem:s0], [sflag:$0x3], $0x6400, $0x38;
	[tilespmem:$0xE900] =	vst v63  }
0x206: {  	_ =	swait.ge [sflag:s28], $0x6400  }
0x207: {  	[sflag:s28] =	ssyncset.done $0x0  }
0x208: {  	[sflag:s28] =	ssyncadd.s32 $0xFFFF9C00  }
0x209: {  	_ =	swait.ge [sflag:s28], $0x800  }
.Ltmp32:
0x20a: {  	[sflag:s28] =	ssyncset.done $0x0;
	(pc) =	sbr.rel .LBB2_41-.Ltmp32, $4  }
0x20b: {  	[sflag:s28] =	ssyncadd.s32 $0xFFFFF800  }
0x20c: {  	_ =	swait.ge [sflag:s28], $0x800  }
0x20d: {  	[sflag:s28] =	ssyncset.done $0x0  }
0x20e: {  	s1 =	simm.s32 $0x7500;
	[sflag:s28] =	ssyncadd.s32 $0xFFFFF800  }
.LBB2_43:
0x20f: {  	v3 =	vimm.s32 $0x0  }
.LBB2_51:
0x210: {  	p0 =	slt.s32 s3, $0xC1  }
0x211: {  	s3 =	smul.u32 @!p0 $0x320, s0;
	_ =	sdelay $0x1  }
0x212: {  	s3 =	sshra.s32 @!p0 s3, $0x2  }
0x213: {  	v4 =	vld @!p0 [tilespmem:s3+$0x75B8];
	_ =	sdelay $0x2  }
0x214: {  	v5 =	vlaneseq.u32 @!p0  }
0x215: {  	v6 =	vadd.s32 @!p0 $0xB8, v5  }
0x216: {  	vm1 =	vgt.s32 @!p0 v2, v6;
	vm0 =	vne.s32 @!p0 v4, $0x0  }
0x217: {  	vm0 =	vmand @!p0 vm1, vm0;
	vm1 =	vcmask @!p0 $0x3F20  }
0x218: {  	vm1 =	vmand @!p0 vm0, vm1  }
0x219: {  	v2 =	vmpcnt.ones.xlane @!p0 vm1;
	_ =	sdelay $0x1  }
0x21a: {  	v4 =	vadd.s32 @!p0 v3, v2  }
0x21b: {  	v4 =	vpsel p0, v3, v4  }
0x21c: {  	v7 =	vcvt.s32.f32 v4;
	_ =	sdelay $0x1  }
0x21d: {  	v8 =	vmin.f32 v7, $5.000000000e+00  }
0x21e: {  	v9 =	vadd.f32 $-1.000000000e+00, v8  }
0x21f: {  	v10 =	vbroadcast v1, $0x5  }
0x220: {  	v8 =	vtrunc.f32 v8;
	v9 =	vmax.f32 v9, $1.000000000e+00  }
0x221: {  	v8 =	vcvt.f32.s32 v8;
	v9 =	vmul.f32 v9, v10  }
0x222: {  	vm1 =	vcmask @!p0 $0x1F00  }
0x223: {  	v10 =	vimm.s32 @!p0 $0x800000C7;
	vm11 =	vgt.s32 v8, $0x2;
	v9 =	vtrunc.f32 v9  }
0x224: {  	v10 =	vsel @!p0 vm1, $0xC0000000, v10;
	vm1 =	vcmask @!p0 $0x2320;
	v9 =	vcvt.f32.s32 v9  }
0x225: {  	v8 =	vnsel vm11, $0x2, v8;
	v10 =	vsel @!p0 vm1, $0x800000C0, v10;
	vm1 =	vcmask @!p0 $0x2724  }
0x226: {  	v10 =	vsel @!p0 vm1, $0x800000C1, v10;
	vm1 =	vcmask @!p0 $0x2B28;
	v9 =	vadd.s32 $0x2, v9  }
0x227: {  	v10 =	vsel @!p0 vm1, $0x800000C2, v10;
	vm1 =	vcmask @!p0 $0x2F2C;
	vm2 =	vgt.s32 v9, $0x2  }
0x228: {  	v10 =	vsel @!p0 vm1, $0x800000C3, v10;
	vm1 =	vcmask @!p0 $0x3330;
	v9 =	vnsel vm2, $0x2, v9  }
0x229: {  	v10 =	vsel @!p0 vm1, $0x800000C4, v10;
	vm1 =	vcmask @!p0 $0x3734;
	v8 =	vmin.u32 v8, v9  }
0x22a: {  	v9 =	vsel @!p0 vm1, $0x800000C5, v10;
	vm1 =	vcmask @!p0 $0x3B38;
	v60 =	vcvt.s32.f32 v8  }
0x22b: {  	v9 =	vsel @!p0 vm1, $0x800000C6, v9  }
0x22c: {  	v9 =	vnsel @!p0 vm0, $0xC0000000, v9;
	v7 =	vsub.f32 v7, v60  }
0x22d: {  	(xrf1) =	vsort.ascd.msk.u32 @!p0 $0xffff, v9, v6  }
0x22e: {  	v61 =	vadd.f32 $1.000000000e+00, v7  }
0x22f: {  	v62 =	vbroadcast v1, $0x6  }
0x230: {  	v6 =	vmax.f32 v61, $1.000000000e+00  }
0x231: {  	v6 =	vmul.f32 v6, v62;
	_ =	sdelay $0x1  }
0x232: {  	v6 =	vtrunc.f32 v6  }
0x233: {  	v6 =	vcvt.f32.s32 v6;
	_ =	sdelay $0x1  }
0x234: {  	v6 =	vadd.s32 v0, v6  }
0x235: {  	vm0 =	vgt.s32 @!p0 v2, v5;
	vm12 =	vgt.s32 v6, $0x0  }
0x236: {  	v2 =	vadd.s32 @!p0 v5, v3;
	v3 =	vnsel vm12, $0x0, v6  }
0x237: {  	v3 =	vmin.u32 v3, $0xC7;
	_ =	sdelay $0x1  }
0x238: {  	v5, _, _ =	vpop @!p0 (xrf1)  }
0x239: {  	s3 =	simm.s32 @!p0 $0x7400;
	v5 =	vxor.u32 @!p0 $0x80000000, v5  }
0x23a: {  	[tilespmem:v2+s3+$0x0] =	vst.idx.msk @!p0 vm0, v5  }
0x23b: {  	v2 =	vld.idx.msk [tilespmem:v3+s30+$0x0], $0xffff;
	_ =	sdelay $0x3  }
0x23c: {  	v3 =	vmov s0  }
0x23d: {  	v3 =	vmul.u32 $0xC8, v3;
	vm13 =	vgt.s32 v2, $0x0  }
0x23e: {  	v2 =	vnsel vm13, $0x0, v2  }
0x23f: {  	v3 =	vbroadcast v3, $0x0;
	v2 =	vmin.u32 v2, $0xC7  }
0x240: {  	v63 =	vand.u32 $0xF8, v2  }
0x241: {  	v2 =	vand.u32 $0x7, v2;
	v3 =	vadd.s32 v3, v63  }
0x242: {  	v2 =	vor.u32 v2, v3;
	_ =	sdelay $0x4  }
0x243: {  	v3 =	vld.idx.msk [tilespmem:v2+s22+$0x0], $0xffff;
	_ =	sdelay $0x2  }
0x244: {  	vm14 =	vgt.u32 v8, v0  }
0x245: {  	v1 =	vnsel vm14, $0x7F800000, v1  }
0x246: {  	(xrf1) =	vsort.ascd.msk.f32 $0xffff, v1, v3;
	_ =	sdelay $0x7  }
0x247: {  	vm15 =	vgt.s32 v4, $0x1  }
0x248: {  	vm0 =	vmand vm15, vm14;
	_ =	sdelay $0x4  }
0x249: {  	_, v1, _ =	vpop (xrf1)  }
0x24a: {  	[tilespmem:v2+s22+$0x0] =	vst.idx.msk vm0, v1  }
.LBB2_52:
0x24b: {  	s0 =	sadd.s32 $0x1, s0  }
0x24c: {  	p0 =	sne.s32 s0, $0x80  }
.Ltmp33:
0x24d: {  	_ = 	snop;
	(pc) =	sbr.rel @!p0 .LBB2_53-.Ltmp33, $2  }
0x24e: {  	_ =	sdelay $0x2  }
0x24f: {  	s1 =	sadd.s32 $0xC8, s1  }
.LBB2_41:
0x250: {  	s4 =	sshll.u32 s0, $0x4  }
0x251: {  	v2 =	vld [tilespmem:s4+$0xE100];
	_ =	sdelay $0x4  }
0x252: {  	(v2sf) =	vpush v2, $0x0;
	_ =	sdelay $0xe  }
0x253: {  	s3 =	spop (v2sf)  }
0x254: {  	p0 =	seq.s32 s3, $0x0  }
.Ltmp34:
0x255: {  	_ = 	snop;
	(pc) =	sbr.rel @p0 .LBB2_52-.Ltmp34, $1  }
0x256: {  	_ =	sdelay $0x3  }
0x257: {  	(v2sf) =	vpush v2, $0x1;
	_ =	sdelay $0xe  }
0x258: {  	s3 =	spop (v2sf)  }
0x259: {  	s5 =	sadd.s32 $0xF, s3  }
0x25a: {  	s6 =	sand.u32 $0xF, s5  }
0x25b: {  	s7 =	sshra.s32 s5, $0x1F;
	p1 =	slt.s32 s5, $0x1;
	p0 =	sne.s32 s6, $0x0  }
0x25c: {  	s6 =	sshrl.u32 s7, $0x1C;
	p0 =	por !p1, !p0  }
0x25d: {  	s5 =	sadd.s32 s6, s5;
	s6 =	simm.s32 $0x1;
	p0 =	por !p0, !p0  }
0x25e: {  	s5 =	sshra.s32 s5, $0x4;
	s6 =	simm.s32 @!p0 $0x0  }
0x25f: {  	s5 =	ssub.s32 s5, s6  }
0x260: {  	p0 =	slt.s32 s5, $0x1  }
.Ltmp35:
0x261: {  	_ = 	snop;
	(pc) =	sbr.rel @p0 .LBB2_43-.Ltmp35, $2  }
0x262: {  	_ =	sdelay $0x2  }
0x263: {  	v1 =	vld [tilespmem:s4+$0xD900];
	v2 =	vbroadcast v2, $0x1  }
0x264: {  	s5 =	smin.u32 s5, $0xC  }
0x265: {  	p1 =	sne.s32 s5, $0x1  }
.Ltmp36:
0x266: {  	_ = 	snop;
	(pc) =	sbr.rel @!p1 .LBB2_45-.Ltmp36, $2  }
0x267: {  	_ =	sdelay $0x2  }
0x268: {  	v5 =	vimm.s32 $0x0;
	s4 =	simm.s32 $0x0;
	v6 =	vld [tilespmem:s1+$0x0];
	p0 =	por $0x0, $0x0;
	s5 =	sadd.s32 $0xFFFFFFFF, s5  }
0x269: {  	_ =	sdelay $0x2  }
0x26a: {  	v3 =	vor.u32 s4, v0  }
0x26b: {  	vm1 =	vlt.s32 v3, v2;
	vm0 =	vne.s32 v6, $0x0  }
0x26c: {  	v4 =	vxor.u32 $0x80000000, v3;
	vm0 =	vmand vm1, vm0  }
0x26d: {  	v4 =	vnsel vm0, $0xC0000000, v4  }
0x26e: {  	(xrf1) =	vsort.ascd.msk.u32 $0xffff, v4, v3;
	_ =	sdelay $0x7  }
0x26f: {  	v3 =	vmpcnt.ones.xlane vm0;
	_ =	sdelay $0x1  }
0x270: {  	vm0 =	vgt.s32 v3, v0  }
0x271: {  	v6 =	vadd.s32 v0, v5  }
0x272: {  	p1 =	sne.s32 s5, $0x1  }
.Ltmp37:
0x273: {  	_ = 	snop;
	(pc) =	sbr.rel @!p1 .LBB2_47-.Ltmp37, $4  }
0x274: {  	v4, _, _ =	vpop (xrf1)  }
0x275: {  	v7 =	vxor.u32 $0x80000000, v4  }
0x276: {  	s6 =	sadd.s32 $0x10, s1;
	v4 =	vadd.s32 v5, v3;
	[tilespmem:v6+s30+$0x0] =	vst.idx.msk vm0, v7  }
0x277: {  	s7 =	sadd.s32 $0xFFFFFFFF, s5;
	p0 =	por $0x1, $0x1;
	s5 =	simm.s32 $0x0;
	v3 =	vmov v4;
	v6 =	vld [tilespmem:s6+$0x0]  }
.LBB2_48:
0x278: {  	p1 =	sne.s32 s7, $0x1;
	_ =	sdelay $0x1  }
0x279: {  	s5 =	sadd.s32 $0x10, s5  }
0x27a: {  	v5 =	vor.u32 s5, v0  }
0x27b: {  	vm1 =	vlt.s32 v5, v2;
	vm0 =	vne.s32 v6, $0x0  }
0x27c: {  	v6 =	vxor.u32 $0x80000000, v5;
	vm0 =	vmand vm1, vm0  }
0x27d: {  	v6 =	vnsel vm0, $0xC0000000, v6  }
0x27e: {  	(xrf1) =	vsort.ascd.msk.u32 $0xffff, v6, v5;
	_ =	sdelay $0x7  }
0x27f: {  	v5 =	vmpcnt.ones.xlane vm0;
	_ =	sdelay $0x1  }
0x280: {  	vm0 =	vgt.s32 v5, v0;
	v4 =	vadd.s32 v4, v5  }
0x281: {  	v5 =	vadd.s32 v0, v3;
	v3 =	vmov v4;
	_ =	sdelay $0x1  }
.Ltmp38:
0x282: {  	(pc) =	sbr.rel @p1 .LBB2_48-.Ltmp38, $4  }
0x283: {  	v6, _, _ =	vpop (xrf1)  }
0x284: {  	v6 =	vxor.u32 $0x80000000, v6  }
0x285: {  	s6 =	sadd.s32 $0x10, s6;
	[tilespmem:v5+s30+$0x0] =	vst.idx.msk vm0, v6  }
0x286: {  	s7 =	sadd.s32 $0xFFFFFFFF, s7;
	v6 =	vld [tilespmem:s6+$0x0]  }
0x287: {  	v5 =	vmov v4  }
.LBB2_50:
0x288: {  	s5 =	sadd.s32 @p0 $0x10, s5  }
0x289: {  	s4 =	smov.u32 @p0 s5  }
0x28a: {  	v4 =	vor.u32 s4, v0  }
0x28b: {  	vm0 =	vne.s32 v6, $0x0;
	vm1 =	vlt.s32 v4, v2  }
0x28c: {  	v62 =	vxor.u32 $0x80000000, v4;
	vm0 =	vmand vm1, vm0  }
0x28d: {  	v6 =	vnsel vm0, $0xC0000000, v62  }
0x28e: {  	(xrf1) =	vsort.ascd.msk.u32 $0xffff, v6, v4;
	_ =	sdelay $0x7  }
0x28f: {  	v4 =	vmpcnt.ones.xlane vm0;
	_ =	sdelay $0x1  }
0x290: {  	vm0 =	vgt.s32 v4, v0  }
0x291: {  	v63 =	vadd.s32 v0, v3  }
.Ltmp39:
0x292: {  	_ = 	snop;
	(pc) =	sbr.rel .LBB2_51-.Ltmp39, $4  }
0x293: {  	_ = 	snop  }
0x294: {  	v3, _, _ =	vpop (xrf1)  }
0x295: {  	v7 =	vxor.u32 $0x80000000, v3  }
0x296: {  	v3 =	vadd.s32 v5, v4;
	[tilespmem:v63+s30+$0x0] =	vst.idx.msk vm0, v7  }
.LBB2_45:
.Ltmp40:
0x297: {  	(pc) =	sbr.rel .LBB2_50-.Ltmp40, $2  }
0x298: {  	_ =	sdelay $0x2  }
0x299: {  	s5 =	simm.s32 $0x0;
	v3 =	vimm.s32 $0x0  }
.LBB2_47:
.Ltmp41:
0x29a: {  	(pc) =	sbr.rel .LBB2_50-.Ltmp41, $2  }
0x29b: {  	_ =	sdelay $0x2  }
0x29c: {  	s5 =	simm.s32 $0x0;
	v5 =	vmov v4;
	v3 =	vmov v4  }
.LBB2_54:
0x29d: {  	_ =	sfence.sel $0x180000  }
0x29e: {  	[bflag:$0x0] =	sbarrier.arrive $0xFFFF  }
0x29f: {  	_ =	strace $0x90000047  }
0x2a0: {  	s0 =	stileid.u32;
	[bflag:$0x2] =	sbarrier.arrive $0xFFFF  }
0x2a1: {  	p0 =	sne.s32 s0, $0x0;
	s0 =	rddreg [dreg:$0x2]  }
0x2a2: {  	s0 =	sadd.s32 @!p0 $0x100000, s0  }
0x2a3: {  	[sflag:s0] =	ssyncadd.tile.s32 @!p0 $0x1;
	_ =	shalt  }
.Lfunc_end2:
_tile_overlayer_lowered:
.L_overlay_start_2:
0x2a4: {  	(tag) =	ssettag $0x2  }
0x2a5: {  	s0 =	rddreg [dreg:$0x0];
	s2 =	stileid.u32  }
0x2a6: {  	s1 =	rddreg [dreg:$0x1];
	p0 =	sne.s32 s2, $0x0  }
0x2a7: {  	s3 =	rddreg [dreg:$0x2];
	[bflag:$0x3] =	sbarrier.arrive $0xFFFF;
	s2 =	simm.s32 @!p0 $0x1C05  }
0x2a8: {  	[timem:s3], [sflag:s2] =	dma.local @!p0 [hbm:s0], s1  }
0x2a9: {  	s0 =	simm.s32 @!p0 $0x5  }
0x2aa: {  	_ =	swait.ge @!p0 [sflag:s0], s1  }
0x2ab: {  	s1 =	ssub.s32 @!p0 $0x0, s1;
	[sflag:s0] =	ssyncset.done @!p0 $0x0  }
0x2ac: {  	[sflag:s0] =	ssyncadd.s32 @!p0 s1  }
0x2ad: {  	[bflag:$0x3] =	sbarrier.arrive $0xFFFF  }
0x2ae: {  	_ =	shalt  }

</sc_bundles>
